<compile_context>
chip_gen: v7x
topology: tpu7x:2x2x1
jax: 0.10.2.dev20260603
libtpu: 0.0.44.dev20260713+nightly
codegen_flags: <defaults>
</compile_context>

<pallas_src>
import functools

import jax
import jax.numpy as jnp
from jax import lax
from jax.experimental import pallas as pl
from jax.experimental.pallas import tpu as pltpu
from jax.experimental.pallas import tpu_sc as plsc

NBINS = 1024
SMAX = 8.0
LANES = 16
NSUB = 32
TOTAL_PX = 8 * 512 * 512
PX_PER_SUB = TOTAL_PX // NSUB
PX_PER_SUB_H = TOTAL_PX // 2 // NSUB
PIECE = 16384


UNROLL = 16


def _tc_prepack_body(x_ref, t_ref, o_ref):
    xv = x_ref[0, 0]
    tv = t_ref[0]
    fmask = tv == 1
    s = jnp.where(fmask, -xv, xv)
    scale = jnp.float32(NBINS / (2.0 * SMAX))
    binf = (s + SMAX) * scale
    binf = jnp.minimum(jnp.maximum(binf, 0.0), NBINS - 1.0)
    v = binf.astype(jnp.int32) + jnp.where(fmask, 65536, 0)
    for c in range(4):
        o_ref[pl.ds(c * 512, 512), :] = v[:, c * 128:(c + 1) * 128]


_tc_prepack = pl.pallas_call(
    _tc_prepack_body,
    grid=(8,),
    in_specs=[
        pl.BlockSpec((1, 1, 512, 512), lambda i: (i, 1, 0, 0)),
        pl.BlockSpec((1, 512, 512), lambda i: (i, 0, 0)),
    ],
    out_specs=pl.BlockSpec((2048, 128), lambda i: (i, 0)),
    out_shape=jax.ShapeDtypeStruct((TOTAL_PX // 128, 128), jnp.int32),
)


def _sc_hist_body(v_hbm, out_hbm, hist, vbuf0, vbuf1, nbuf, mbuf, sem0, sem1):
    wid = lax.axis_index("s") * 2 + lax.axis_index("c")
    base = wid * PX_PER_SUB
    bufs = (vbuf0, vbuf1)
    sems = (sem0, sem1)

    @plsc.parallel_loop(0, NBINS * LANES // 16, 1, unroll=8)
    def _(i):
        hist[pl.ds(i * 16, 16)] = jnp.zeros((16,), jnp.int32)

    lane_base = lax.iota(jnp.int32, 16) * NBINS

    npieces = PX_PER_SUB // PIECE
    pending = pltpu.async_copy(v_hbm.at[pl.ds(base, PIECE)], bufs[0], sems[0])
    for piece in range(npieces):
        cur = pending
        if piece + 1 < npieces:
            pending = pltpu.async_copy(
                v_hbm.at[pl.ds(base + (piece + 1) * PIECE, PIECE)],
                bufs[(piece + 1) % 2], sems[(piece + 1) % 2])
        cur.wait()
        buf = bufs[piece % 2]

        @plsc.parallel_loop(0, PIECE // 16, 1, unroll=UNROLL)
        def _(i):
            vv = buf[pl.ds(i * 16, 16)]
            idx = lane_base + (vv & 0xFFFF)
            val = (vv & 65536) + 1
            plsc.addupdate_scatter(hist, [idx], val)

    @plsc.parallel_loop(0, NBINS // 16, 1, unroll=4)
    def _(cks):
        nacc = jnp.zeros((16,), jnp.int32)
        macc = jnp.zeros((16,), jnp.int32)
        for l in range(LANES):
            v = hist[pl.ds(l * NBINS + cks * 16, 16)]
            nacc = nacc + (v & 0xFFFF)
            macc = macc + (v >> 16)
        nbuf[pl.ds(cks * 16, 16)] = nacc
        mbuf[pl.ds(cks * 16, 16)] = macc

    pltpu.sync_copy(nbuf, out_hbm.at[pl.ds(wid * 2 * NBINS, NBINS)])
    pltpu.sync_copy(mbuf, out_hbm.at[pl.ds(wid * 2 * NBINS + NBINS, NBINS)])


@functools.lru_cache(maxsize=None)
def _sc_hist():
    return functools.partial(
        pl.kernel,
        mesh=plsc.VectorSubcoreMesh(core_axis_name="c", subcore_axis_name="s"),
        out_type=jax.ShapeDtypeStruct((NSUB * 2 * NBINS,), jnp.int32),
        compiler_params=pltpu.CompilerParams(needs_layout_passes=False),
        scratch_types=[
            pltpu.VMEM((NBINS * LANES,), jnp.int32),
            pltpu.VMEM((PIECE,), jnp.int32),
            pltpu.VMEM((PIECE,), jnp.int32),
            pltpu.VMEM((NBINS,), jnp.int32),
            pltpu.VMEM((NBINS,), jnp.int32),
            pltpu.SemaphoreType.DMA,
            pltpu.SemaphoreType.DMA,
        ],
    )(_sc_hist_body)


ROWS_PER_HALF = NBINS // 128


def _tc_finalize_body(hist_ref, out_ref):
    h = hist_ref[:].astype(jnp.float32)

    r = lax.broadcasted_iota(jnp.int32, (128, 128), 0)
    c = lax.broadcasted_iota(jnp.int32, (128, 128), 1)
    suf = (r >= c).astype(jnp.float32)

    r16 = lax.broadcasted_iota(jnp.int32, (ROWS_PER_HALF, ROWS_PER_HALF), 0)
    c16 = lax.broadcasted_iota(jnp.int32, (ROWS_PER_HALF, ROWS_PER_HALF), 1)
    above = (c16 > r16).astype(jnp.float32)

    ones128 = jnp.ones((128, 1), jnp.float32)
    ds = 2.0 * SMAX / NBINS
    rowi = lax.broadcasted_iota(jnp.int32, (ROWS_PER_HALF, 1), 0).astype(jnp.float32)
    lane = lax.broadcasted_iota(jnp.int32, (1, 128), 1).astype(jnp.float32)
    centers = jnp.float32(-SMAX + 0.5 * ds) + (rowi * 128.0 + lane) * jnp.float32(ds)
    rep = 1.0 / (1.0 + jnp.exp(-centers))

    acc = jnp.zeros((1, 1), jnp.float32)
    rh = ROWS_PER_HALF
    for img in range(8):
        n16 = jnp.zeros((rh, 128), jnp.float32)
        m16 = jnp.zeros((rh, 128), jnp.float32)
        for q in range(4):
            w = img * 4 + q
            n16 = n16 + h[w * 2 * rh:w * 2 * rh + rh]
            m16 = m16 + h[w * 2 * rh + rh:w * 2 * rh + 2 * rh]
        kin = jnp.dot(n16, suf, preferred_element_type=jnp.float32)
        sin = jnp.dot(m16, suf, preferred_element_type=jnp.float32)
        ntot = kin[:, :1]
        mtot = sin[:, :1]
        k_off = jnp.dot(above, ntot, preferred_element_type=jnp.float32)
        s_off = jnp.dot(above, mtot, preferred_element_type=jnp.float32)
        kk = kin + k_off
        ss = sin + s_off
        gts = jnp.sum(mtot)

        def jac(kc, sc):
            den = jnp.maximum(gts + kc - sc, 1.0)
            return jnp.where(kc > 0.0, 1.0 - (gts - sc) / den, 0.0)

        contrib = rep * (jac(kk, ss) - jac(kk - n16, ss - m16))
        acc = acc + jnp.sum(contrib).reshape(1, 1)

    out_ref[0, 0] = acc[0, 0] * jnp.float32(1.0 / 8.0)


_tc_finalize = pl.pallas_call(
    _tc_finalize_body,
    out_shape=jax.ShapeDtypeStruct((1, 1), jnp.float32),
    out_specs=pl.BlockSpec(memory_space=pltpu.SMEM),
)


def kernel(input, target):
    t = target.astype(jnp.int32)
    v = _tc_prepack(input, t)
    hist = _sc_hist()(v.reshape(-1))
    loss = _tc_finalize(hist.reshape(NSUB * 2 * NBINS // 128, 128))
    return loss[0, 0]

# --- scband reference (transcript-rebuilt; emitter-appended) ---
"""Pipeline reference for scband-lovasz-seg-loss-22436909154434 (READ-ONLY COPY).

The authoritative reference and input builder live on the scoring server;
editing this copy changes nothing except your own understanding.
"""

import jax, jax.numpy as jnp
import numpy as np

CLASSES = [1]


def lovasz_grad(gt_sorted):
    gts = jnp.sum(gt_sorted)
    intersection = gts - jnp.cumsum(gt_sorted)
    union = gts + jnp.cumsum(1.0 - gt_sorted)
    jaccard = 1.0 - intersection / union
    jaccard = jnp.concatenate([jaccard[:1], jaccard[1:] - jaccard[:-1]])
    return jaccard


def lovasz_softmax_flat(probas, labels):
    # probas: [P, C] float, labels: [P] int
    losses = []
    for c in CLASSES:
        fg = (labels == c).astype(probas.dtype)
        errors = jnp.abs(fg - probas[:, c])
        perm = jnp.argsort(-errors)  # descending sort of errors
        errors_sorted = errors[perm]
        fg_sorted = fg[perm]
        losses.append(jnp.dot(errors_sorted, lovasz_grad(fg_sorted)))
    return jnp.mean(jnp.stack(losses))


def setup_inputs(seed: int = 0) -> dict:
    key = jax.random.key(seed)
    k1, k2 = jax.random.split(key)
    B, C, H, W = 8, 2, 512, 512
    inp = jax.random.normal(k1, (B, C, H, W), dtype=jnp.float32)
    target = jax.random.randint(k2, (B, H, W), 0, 2).astype(jnp.int64)
    return {"input": inp, "target": target}


def reference(input, target):
    probas = jax.nn.sigmoid(input)
    B, C, H, W = probas.shape
    # flatten_probas: [B, C, H, W] -> per-image [P, C]
    probas_flat = jnp.transpose(probas, (0, 2, 3, 1)).reshape(B, H * W, C)
    labels_flat = target.reshape(B, H * W)
    # per_image=True: compute loss per image then mean
    per_image_losses = jax.vmap(lovasz_softmax_flat)(probas_flat, labels_flat)
    return jnp.mean(per_image_losses)

if __name__ == "__main__":
    import jax
    _d = setup_inputs()
    print(jax.jit(kernel)(*tuple(_d.values())))

</pallas_src>

<mosaic_0001>
#map = affine_map<(d0, d1) -> (0)>
module attributes {stable_mosaic.version = 14 : i64} {
  func.func @_sc_hist_body(%arg0: i32, %arg1: i32, %arg2: memref<2097152xi32, #tpu.memory_space<hbm>>, %arg3: memref<65536xi32, #tpu.memory_space<hbm>>, %arg4: memref<16384xi32, #tpu.memory_space<vmem>>, %arg5: memref<16384xi32, #tpu.memory_space<vmem>>, %arg6: memref<16384xi32, #tpu.memory_space<vmem>>, %arg7: memref<1024xi32, #tpu.memory_space<vmem>>, %arg8: memref<1024xi32, #tpu.memory_space<vmem>>, %arg9: memref<!tpu.dma_semaphore, #tpu.memory_space<semaphore_mem>>, %arg10: memref<!tpu.dma_semaphore, #tpu.memory_space<semaphore_mem>>) attributes {dimension_semantics = [#tpu.dimension_semantics<core_parallel>, #tpu.dimension_semantics<subcore_parallel>], iteration_bounds = array<i64: 2, 16>, scalar_prefetch = 0 : i64, scratch_operands = 7 : i64, tpu.core_type = #tpu.core_type<sc_vector_subcore>, window_params = [{transform_indices = #map}, {transform_indices = #map}]} {
    %mul3A = arith.constant 2 : i32
    %mul3A_0 = arith.muli %arg1, %mul3A : i32
    %add3A = arith.addi %mul3A_0, %arg0 : i32
    %mul3A_1 = arith.constant 65536 : i32
    %mul3A_2 = arith.muli %add3A, %mul3A_1 : i32
    %parallel_loop3A = arith.constant 0 : i32
    %parallel_loop3A_3 = arith.constant 1024 : i32
    %parallel_loop3A_4 = arith.constant 1 : i32
    scf.for %parallel_loop3A_53 = %parallel_loop3A to %parallel_loop3A_3 step %parallel_loop3A_4  : i32 {
      %parallel_loop3A_54 = arith.constant 0 : i32
      %parallel_loop3A_55 = vector.broadcast %parallel_loop3A_54 : i32 to vector<16xi32>
      %parallel_loop3A_56 = arith.constant 16 : i32
      %parallel_loop3A_57 = arith.muli %parallel_loop3A_53, %parallel_loop3A_56 : i32
      %parallel_loop3A_58 = arith.index_cast %parallel_loop3A_57 : i32 to index
      %parallel_loop3A_59 = tpu.vector_load %arg4[%parallel_loop3A_58] {strides = array<i32>} : memref<16384xi32, #tpu.memory_space<vmem>>, vector<16xi32>,
      tpu.vector_store %arg4[%parallel_loop3A_58], %parallel_loop3A_55 {strides = array<i32>} : memref<16384xi32, #tpu.memory_space<vmem>>, vector<16xi32>,
    } {sc.loop_unroll_factor = 8 : i64, sc.parallel_access}
    %iota3A = tpu.iota {dimensions = array<i32: 0>} : vector<16xi32>
    %mul3A_5 = arith.constant 1024 : i32
    %mul3A_6 = vector.broadcast %mul3A_5 : i32 to vector<16xi32>
    %mul3A_7 = arith.muli %iota3A, %mul3A_6 : vector<16xi32>
    %dma_start3A = tpu.memref_slice %arg2[%mul3A_2] : memref<2097152xi32, #tpu.memory_space<hbm>> -> memref<16384xi32, #tpu.memory_space<hbm>>
    %dma_start3A_8 = tpu.memref_slice %arg2[%mul3A_2] : memref<2097152xi32, #tpu.memory_space<hbm>> -> memref<16384xi32, #tpu.memory_space<hbm>>
    tpu.enqueue_dma source(%dma_start3A_8 : memref<16384xi32, #tpu.memory_space<hbm>>) target(%arg5 : memref<16384xi32, #tpu.memory_space<vmem>>) target_semaphore(%arg9 : memref<!tpu.dma_semaphore, #tpu.memory_space<semaphore_mem>>)
    %add3A_9 = arith.constant 16384 : i32
    %add3A_10 = arith.addi %mul3A_2, %add3A_9 : i32
    %dma_start3A_11 = tpu.memref_slice %arg2[%add3A_10] : memref<2097152xi32, #tpu.memory_space<hbm>> -> memref<16384xi32, #tpu.memory_space<hbm>>
    %dma_start3A_12 = tpu.memref_slice %arg2[%add3A_10] : memref<2097152xi32, #tpu.memory_space<hbm>> -> memref<16384xi32, #tpu.memory_space<hbm>>
    tpu.enqueue_dma source(%dma_start3A_12 : memref<16384xi32, #tpu.memory_space<hbm>>) target(%arg6 : memref<16384xi32, #tpu.memory_space<vmem>>) target_semaphore(%arg10 : memref<!tpu.dma_semaphore, #tpu.memory_space<semaphore_mem>>)
    %dma_wait3A = tpu.memref_slice %arg2[%mul3A_2] : memref<2097152xi32, #tpu.memory_space<hbm>> -> memref<16384xi32, #tpu.memory_space<hbm>>
    %dma_wait3A_13 = tpu.memref_slice %arg2[%mul3A_2] : memref<2097152xi32, #tpu.memory_space<hbm>> -> memref<16384xi32, #tpu.memory_space<hbm>>
    tpu.wait_dma2 semaphore(%arg9 : memref<!tpu.dma_semaphore, #tpu.memory_space<semaphore_mem>>) src(%dma_wait3A_13 : memref<16384xi32, #tpu.memory_space<hbm>>) dst(%arg5 : memref<16384xi32, #tpu.memory_space<vmem>>)
    %parallel_loop3A_14 = arith.constant 0 : i32
    %parallel_loop3A_15 = arith.constant 1024 : i32
    %parallel_loop3A_16 = arith.constant 1 : i32
    scf.for %parallel_loop3A_53 = %parallel_loop3A_14 to %parallel_loop3A_15 step %parallel_loop3A_16  : i32 {
      %parallel_loop3A_54 = arith.constant 16 : i32
      %parallel_loop3A_55 = arith.muli %parallel_loop3A_53, %parallel_loop3A_54 : i32
      %parallel_loop3A_56 = arith.index_cast %parallel_loop3A_55 : i32 to index
      %parallel_loop3A_57 = tpu.vector_load %arg5[%parallel_loop3A_56] {strides = array<i32>} : memref<16384xi32, #tpu.memory_space<vmem>>, vector<16xi32>,
      %parallel_loop3A_58 = arith.constant 65535 : i32
      %parallel_loop3A_59 = vector.broadcast %parallel_loop3A_58 : i32 to vector<16xi32>
      %parallel_loop3A_60 = arith.andi %parallel_loop3A_57, %parallel_loop3A_59 : vector<16xi32>
      %parallel_loop3A_61 = arith.addi %mul3A_7, %parallel_loop3A_60 : vector<16xi32>
      %parallel_loop3A_62 = arith.constant 65536 : i32
      %parallel_loop3A_63 = vector.broadcast %parallel_loop3A_62 : i32 to vector<16xi32>
      %parallel_loop3A_64 = arith.andi %parallel_loop3A_57, %parallel_loop3A_63 : vector<16xi32>
      %parallel_loop3A_65 = arith.constant 1 : i32
      %parallel_loop3A_66 = vector.broadcast %parallel_loop3A_65 : i32 to vector<16xi32>
      %parallel_loop3A_67 = arith.addi %parallel_loop3A_64, %parallel_loop3A_66 : vector<16xi32>
      tpu.vector_store_idx %arg4[%parallel_loop3A_61], %parallel_loop3A_67 {add = true} : memref<16384xi32, #tpu.memory_space<vmem>>[vector<16xi32>], vector<16xi32>,
    } {sc.loop_unroll_factor = 16 : i64, sc.parallel_access}
    %add3A_17 = arith.constant 32768 : i32
    %add3A_18 = arith.addi %mul3A_2, %add3A_17 : i32
    %dma_start3A_19 = tpu.memref_slice %arg2[%add3A_18] : memref<2097152xi32, #tpu.memory_space<hbm>> -> memref<16384xi32, #tpu.memory_space<hbm>>
    %dma_start3A_20 = tpu.memref_slice %arg2[%add3A_18] : memref<2097152xi32, #tpu.memory_space<hbm>> -> memref<16384xi32, #tpu.memory_space<hbm>>
    tpu.enqueue_dma source(%dma_start3A_20 : memref<16384xi32, #tpu.memory_space<hbm>>) target(%arg5 : memref<16384xi32, #tpu.memory_space<vmem>>) target_semaphore(%arg9 : memref<!tpu.dma_semaphore, #tpu.memory_space<semaphore_mem>>)
    %dma_wait3A_21 = tpu.memref_slice %arg2[%add3A_10] : memref<2097152xi32, #tpu.memory_space<hbm>> -> memref<16384xi32, #tpu.memory_space<hbm>>
    %dma_wait3A_22 = tpu.memref_slice %arg2[%add3A_10] : memref<2097152xi32, #tpu.memory_space<hbm>> -> memref<16384xi32, #tpu.memory_space<hbm>>
    tpu.wait_dma2 semaphore(%arg10 : memref<!tpu.dma_semaphore, #tpu.memory_space<semaphore_mem>>) src(%dma_wait3A_22 : memref<16384xi32, #tpu.memory_space<hbm>>) dst(%arg6 : memref<16384xi32, #tpu.memory_space<vmem>>)
    %parallel_loop3A_23 = arith.constant 0 : i32
    %parallel_loop3A_24 = arith.constant 1024 : i32
    %parallel_loop3A_25 = arith.constant 1 : i32
    scf.for %parallel_loop3A_53 = %parallel_loop3A_23 to %parallel_loop3A_24 step %parallel_loop3A_25  : i32 {
      %parallel_loop3A_54 = arith.constant 16 : i32
      %parallel_loop3A_55 = arith.muli %parallel_loop3A_53, %parallel_loop3A_54 : i32
      %parallel_loop3A_56 = arith.index_cast %parallel_loop3A_55 : i32 to index
      %parallel_loop3A_57 = tpu.vector_load %arg6[%parallel_loop3A_56] {strides = array<i32>} : memref<16384xi32, #tpu.memory_space<vmem>>, vector<16xi32>,
      %parallel_loop3A_58 = arith.constant 65535 : i32
      %parallel_loop3A_59 = vector.broadcast %parallel_loop3A_58 : i32 to vector<16xi32>
      %parallel_loop3A_60 = arith.andi %parallel_loop3A_57, %parallel_loop3A_59 : vector<16xi32>
      %parallel_loop3A_61 = arith.addi %mul3A_7, %parallel_loop3A_60 : vector<16xi32>
      %parallel_loop3A_62 = arith.constant 65536 : i32
      %parallel_loop3A_63 = vector.broadcast %parallel_loop3A_62 : i32 to vector<16xi32>
      %parallel_loop3A_64 = arith.andi %parallel_loop3A_57, %parallel_loop3A_63 : vector<16xi32>
      %parallel_loop3A_65 = arith.constant 1 : i32
      %parallel_loop3A_66 = vector.broadcast %parallel_loop3A_65 : i32 to vector<16xi32>
      %parallel_loop3A_67 = arith.addi %parallel_loop3A_64, %parallel_loop3A_66 : vector<16xi32>
      tpu.vector_store_idx %arg4[%parallel_loop3A_61], %parallel_loop3A_67 {add = true} : memref<16384xi32, #tpu.memory_space<vmem>>[vector<16xi32>], vector<16xi32>,
    } {sc.loop_unroll_factor = 16 : i64, sc.parallel_access}
    %add3A_26 = arith.constant 49152 : i32
    %add3A_27 = arith.addi %mul3A_2, %add3A_26 : i32
    %dma_start3A_28 = tpu.memref_slice %arg2[%add3A_27] : memref<2097152xi32, #tpu.memory_space<hbm>> -> memref<16384xi32, #tpu.memory_space<hbm>>
    %dma_start3A_29 = tpu.memref_slice %arg2[%add3A_27] : memref<2097152xi32, #tpu.memory_space<hbm>> -> memref<16384xi32, #tpu.memory_space<hbm>>
    tpu.enqueue_dma source(%dma_start3A_29 : memref<16384xi32, #tpu.memory_space<hbm>>) target(%arg6 : memref<16384xi32, #tpu.memory_space<vmem>>) target_semaphore(%arg10 : memref<!tpu.dma_semaphore, #tpu.memory_space<semaphore_mem>>)
    %dma_wait3A_30 = tpu.memref_slice %arg2[%add3A_18] : memref<2097152xi32, #tpu.memory_space<hbm>> -> memref<16384xi32, #tpu.memory_space<hbm>>
    %dma_wait3A_31 = tpu.memref_slice %arg2[%add3A_18] : memref<2097152xi32, #tpu.memory_space<hbm>> -> memref<16384xi32, #tpu.memory_space<hbm>>
    tpu.wait_dma2 semaphore(%arg9 : memref<!tpu.dma_semaphore, #tpu.memory_space<semaphore_mem>>) src(%dma_wait3A_31 : memref<16384xi32, #tpu.memory_space<hbm>>) dst(%arg5 : memref<16384xi32, #tpu.memory_space<vmem>>)
    %parallel_loop3A_32 = arith.constant 0 : i32
    %parallel_loop3A_33 = arith.constant 1024 : i32
    %parallel_loop3A_34 = arith.constant 1 : i32
    scf.for %parallel_loop3A_53 = %parallel_loop3A_32 to %parallel_loop3A_33 step %parallel_loop3A_34  : i32 {
      %parallel_loop3A_54 = arith.constant 16 : i32
      %parallel_loop3A_55 = arith.muli %parallel_loop3A_53, %parallel_loop3A_54 : i32
      %parallel_loop3A_56 = arith.index_cast %parallel_loop3A_55 : i32 to index
      %parallel_loop3A_57 = tpu.vector_load %arg5[%parallel_loop3A_56] {strides = array<i32>} : memref<16384xi32, #tpu.memory_space<vmem>>, vector<16xi32>,
      %parallel_loop3A_58 = arith.constant 65535 : i32
      %parallel_loop3A_59 = vector.broadcast %parallel_loop3A_58 : i32 to vector<16xi32>
      %parallel_loop3A_60 = arith.andi %parallel_loop3A_57, %parallel_loop3A_59 : vector<16xi32>
      %parallel_loop3A_61 = arith.addi %mul3A_7, %parallel_loop3A_60 : vector<16xi32>
      %parallel_loop3A_62 = arith.constant 65536 : i32
      %parallel_loop3A_63 = vector.broadcast %parallel_loop3A_62 : i32 to vector<16xi32>
      %parallel_loop3A_64 = arith.andi %parallel_loop3A_57, %parallel_loop3A_63 : vector<16xi32>
      %parallel_loop3A_65 = arith.constant 1 : i32
      %parallel_loop3A_66 = vector.broadcast %parallel_loop3A_65 : i32 to vector<16xi32>
      %parallel_loop3A_67 = arith.addi %parallel_loop3A_64, %parallel_loop3A_66 : vector<16xi32>
      tpu.vector_store_idx %arg4[%parallel_loop3A_61], %parallel_loop3A_67 {add = true} : memref<16384xi32, #tpu.memory_space<vmem>>[vector<16xi32>], vector<16xi32>,
    } {sc.loop_unroll_factor = 16 : i64, sc.parallel_access}
    %dma_wait3A_35 = tpu.memref_slice %arg2[%add3A_27] : memref<2097152xi32, #tpu.memory_space<hbm>> -> memref<16384xi32, #tpu.memory_space<hbm>>
    %dma_wait3A_36 = tpu.memref_slice %arg2[%add3A_27] : memref<2097152xi32, #tpu.memory_space<hbm>> -> memref<16384xi32, #tpu.memory_space<hbm>>
    tpu.wait_dma2 semaphore(%arg10 : memref<!tpu.dma_semaphore, #tpu.memory_space<semaphore_mem>>) src(%dma_wait3A_36 : memref<16384xi32, #tpu.memory_space<hbm>>) dst(%arg6 : memref<16384xi32, #tpu.memory_space<vmem>>)
    %parallel_loop3A_37 = arith.constant 0 : i32
    %parallel_loop3A_38 = arith.constant 1024 : i32
    %parallel_loop3A_39 = arith.constant 1 : i32
    scf.for %parallel_loop3A_53 = %parallel_loop3A_37 to %parallel_loop3A_38 step %parallel_loop3A_39  : i32 {
      %parallel_loop3A_54 = arith.constant 16 : i32
      %parallel_loop3A_55 = arith.muli %parallel_loop3A_53, %parallel_loop3A_54 : i32
      %parallel_loop3A_56 = arith.index_cast %parallel_loop3A_55 : i32 to index
      %parallel_loop3A_57 = tpu.vector_load %arg6[%parallel_loop3A_56] {strides = array<i32>} : memref<16384xi32, #tpu.memory_space<vmem>>, vector<16xi32>,
      %parallel_loop3A_58 = arith.constant 65535 : i32
      %parallel_loop3A_59 = vector.broadcast %parallel_loop3A_58 : i32 to vector<16xi32>
      %parallel_loop3A_60 = arith.andi %parallel_loop3A_57, %parallel_loop3A_59 : vector<16xi32>
      %parallel_loop3A_61 = arith.addi %mul3A_7, %parallel_loop3A_60 : vector<16xi32>
      %parallel_loop3A_62 = arith.constant 65536 : i32
      %parallel_loop3A_63 = vector.broadcast %parallel_loop3A_62 : i32 to vector<16xi32>
      %parallel_loop3A_64 = arith.andi %parallel_loop3A_57, %parallel_loop3A_63 : vector<16xi32>
      %parallel_loop3A_65 = arith.constant 1 : i32
      %parallel_loop3A_66 = vector.broadcast %parallel_loop3A_65 : i32 to vector<16xi32>
      %parallel_loop3A_67 = arith.addi %parallel_loop3A_64, %parallel_loop3A_66 : vector<16xi32>
      tpu.vector_store_idx %arg4[%parallel_loop3A_61], %parallel_loop3A_67 {add = true} : memref<16384xi32, #tpu.memory_space<vmem>>[vector<16xi32>], vector<16xi32>,
    } {sc.loop_unroll_factor = 16 : i64, sc.parallel_access}
    %parallel_loop3A_40 = arith.constant 0 : i32
    %parallel_loop3A_41 = arith.constant 64 : i32
    %parallel_loop3A_42 = arith.constant 1 : i32
    scf.for %parallel_loop3A_53 = %parallel_loop3A_40 to %parallel_loop3A_41 step %parallel_loop3A_42  : i32 {
      %parallel_loop3A_54 = arith.constant 0 : i32
      %parallel_loop3A_55 = vector.broadcast %parallel_loop3A_54 : i32 to vector<16xi32>
      %parallel_loop3A_56 = arith.constant 0 : i32
      %parallel_loop3A_57 = vector.broadcast %parallel_loop3A_56 : i32 to vector<16xi32>
      %parallel_loop3A_58 = arith.constant 16 : i32
      %parallel_loop3A_59 = arith.muli %parallel_loop3A_53, %parallel_loop3A_58 : i32
      %parallel_loop3A_60 = arith.constant 0 : i32
      %parallel_loop3A_61 = arith.addi %parallel_loop3A_60, %parallel_loop3A_59 : i32
      %parallel_loop3A_62 = arith.index_cast %parallel_loop3A_61 : i32 to index
      %parallel_loop3A_63 = tpu.vector_load %arg4[%parallel_loop3A_62] {strides = array<i32>} : memref<16384xi32, #tpu.memory_space<vmem>>, vector<16xi32>,
      %parallel_loop3A_64 = arith.constant 65535 : i32
      %parallel_loop3A_65 = vector.broadcast %parallel_loop3A_64 : i32 to vector<16xi32>
      %parallel_loop3A_66 = arith.andi %parallel_loop3A_63, %parallel_loop3A_65 : vector<16xi32>
      %parallel_loop3A_67 = arith.addi %parallel_loop3A_55, %parallel_loop3A_66 : vector<16xi32>
      %parallel_loop3A_68 = arith.constant 16 : i32
      %parallel_loop3A_69 = vector.broadcast %parallel_loop3A_68 : i32 to vector<16xi32>
      %parallel_loop3A_70 = arith.shrsi %parallel_loop3A_63, %parallel_loop3A_69 : vector<16xi32>
      %parallel_loop3A_71 = arith.addi %parallel_loop3A_57, %parallel_loop3A_70 : vector<16xi32>
      %parallel_loop3A_72 = arith.constant 16 : i32
      %parallel_loop3A_73 = arith.muli %parallel_loop3A_53, %parallel_loop3A_72 : i32
      %parallel_loop3A_74 = arith.constant 1024 : i32
      %parallel_loop3A_75 = arith.addi %parallel_loop3A_74, %parallel_loop3A_73 : i32
      %parallel_loop3A_76 = arith.index_cast %parallel_loop3A_75 : i32 to index
      %parallel_loop3A_77 = tpu.vector_load %arg4[%parallel_loop3A_76] {strides = array<i32>} : memref<16384xi32, #tpu.memory_space<vmem>>, vector<16xi32>,
      %parallel_loop3A_78 = arith.constant 65535 : i32
      %parallel_loop3A_79 = vector.broadcast %parallel_loop3A_78 : i32 to vector<16xi32>
      %parallel_loop3A_80 = arith.andi %parallel_loop3A_77, %parallel_loop3A_79 : vector<16xi32>
      %parallel_loop3A_81 = arith.addi %parallel_loop3A_67, %parallel_loop3A_80 : vector<16xi32>
      %parallel_loop3A_82 = arith.constant 16 : i32
      %parallel_loop3A_83 = vector.broadcast %parallel_loop3A_82 : i32 to vector<16xi32>
      %parallel_loop3A_84 = arith.shrsi %parallel_loop3A_77, %parallel_loop3A_83 : vector<16xi32>
      %parallel_loop3A_85 = arith.addi %parallel_loop3A_71, %parallel_loop3A_84 : vector<16xi32>
      %parallel_loop3A_86 = arith.constant 16 : i32
      %parallel_loop3A_87 = arith.muli %parallel_loop3A_53, %parallel_loop3A_86 : i32
      %parallel_loop3A_88 = arith.constant 2048 : i32
      %parallel_loop3A_89 = arith.addi %parallel_loop3A_88, %parallel_loop3A_87 : i32
      %parallel_loop3A_90 = arith.index_cast %parallel_loop3A_89 : i32 to index
      %parallel_loop3A_91 = tpu.vector_load %arg4[%parallel_loop3A_90] {strides = array<i32>} : memref<16384xi32, #tpu.memory_space<vmem>>, vector<16xi32>,
      %parallel_loop3A_92 = arith.constant 65535 : i32
      %parallel_loop3A_93 = vector.broadcast %parallel_loop3A_92 : i32 to vector<16xi32>
      %parallel_loop3A_94 = arith.andi %parallel_loop3A_91, %parallel_loop3A_93 : vector<16xi32>
      %parallel_loop3A_95 = arith.addi %parallel_loop3A_81, %parallel_loop3A_94 : vector<16xi32>
      %parallel_loop3A_96 = arith.constant 16 : i32
      %parallel_loop3A_97 = vector.broadcast %parallel_loop3A_96 : i32 to vector<16xi32>
      %parallel_loop3A_98 = arith.shrsi %parallel_loop3A_91, %parallel_loop3A_97 : vector<16xi32>
      %parallel_loop3A_99 = arith.addi %parallel_loop3A_85, %parallel_loop3A_98 : vector<16xi32>
      %parallel_loop3A_100 = arith.constant 16 : i32
      %parallel_loop3A_101 = arith.muli %parallel_loop3A_53, %parallel_loop3A_100 : i32
      %parallel_loop3A_102 = arith.constant 3072 : i32
      %parallel_loop3A_103 = arith.addi %parallel_loop3A_102, %parallel_loop3A_101 : i32
      %parallel_loop3A_104 = arith.index_cast %parallel_loop3A_103 : i32 to index
      %parallel_loop3A_105 = tpu.vector_load %arg4[%parallel_loop3A_104] {strides = array<i32>} : memref<16384xi32, #tpu.memory_space<vmem>>, vector<16xi32>,
      %parallel_loop3A_106 = arith.constant 65535 : i32
      %parallel_loop3A_107 = vector.broadcast %parallel_loop3A_106 : i32 to vector<16xi32>
      %parallel_loop3A_108 = arith.andi %parallel_loop3A_105, %parallel_loop3A_107 : vector<16xi32>
      %parallel_loop3A_109 = arith.addi %parallel_loop3A_95, %parallel_loop3A_108 : vector<16xi32>
      %parallel_loop3A_110 = arith.constant 16 : i32
      %parallel_loop3A_111 = vector.broadcast %parallel_loop3A_110 : i32 to vector<16xi32>
      %parallel_loop3A_112 = arith.shrsi %parallel_loop3A_105, %parallel_loop3A_111 : vector<16xi32>
      %parallel_loop3A_113 = arith.addi %parallel_loop3A_99, %parallel_loop3A_112 : vector<16xi32>
      %parallel_loop3A_114 = arith.constant 16 : i32
      %parallel_loop3A_115 = arith.muli %parallel_loop3A_53, %parallel_loop3A_114 : i32
      %parallel_loop3A_116 = arith.constant 4096 : i32
      %parallel_loop3A_117 = arith.addi %parallel_loop3A_116, %parallel_loop3A_115 : i32
      %parallel_loop3A_118 = arith.index_cast %parallel_loop3A_117 : i32 to index
      %parallel_loop3A_119 = tpu.vector_load %arg4[%parallel_loop3A_118] {strides = array<i32>} : memref<16384xi32, #tpu.memory_space<vmem>>, vector<16xi32>,
      %parallel_loop3A_120 = arith.constant 65535 : i32
      %parallel_loop3A_121 = vector.broadcast %parallel_loop3A_120 : i32 to vector<16xi32>
      %parallel_loop3A_122 = arith.andi %parallel_loop3A_119, %parallel_loop3A_121 : vector<16xi32>
      %parallel_loop3A_123 = arith.addi %parallel_loop3A_109, %parallel_loop3A_122 : vector<16xi32>
      %parallel_loop3A_124 = arith.constant 16 : i32
      %parallel_loop3A_125 = vector.broadcast %parallel_loop3A_124 : i32 to vector<16xi32>
      %parallel_loop3A_126 = arith.shrsi %parallel_loop3A_119, %parallel_loop3A_125 : vector<16xi32>
      %parallel_loop3A_127 = arith.addi %parallel_loop3A_113, %parallel_loop3A_126 : vector<16xi32>
      %parallel_loop3A_128 = arith.constant 16 : i32
      %parallel_loop3A_129 = arith.muli %parallel_loop3A_53, %parallel_loop3A_128 : i32
      %parallel_loop3A_130 = arith.constant 5120 : i32
      %parallel_loop3A_131 = arith.addi %parallel_loop3A_130, %parallel_loop3A_129 : i32
      %parallel_loop3A_132 = arith.index_cast %parallel_loop3A_131 : i32 to index
      %parallel_loop3A_133 = tpu.vector_load %arg4[%parallel_loop3A_132] {strides = array<i32>} : memref<16384xi32, #tpu.memory_space<vmem>>, vector<16xi32>,
      %parallel_loop3A_134 = arith.constant 65535 : i32
      %parallel_loop3A_135 = vector.broadcast %parallel_loop3A_134 : i32 to vector<16xi32>
      %parallel_loop3A_136 = arith.andi %parallel_loop3A_133, %parallel_loop3A_135 : vector<16xi32>
      %parallel_loop3A_137 = arith.addi %parallel_loop3A_123, %parallel_loop3A_136 : vector<16xi32>
      %parallel_loop3A_138 = arith.constant 16 : i32
      %parallel_loop3A_139 = vector.broadcast %parallel_loop3A_138 : i32 to vector<16xi32>
      %parallel_loop3A_140 = arith.shrsi %parallel_loop3A_133, %parallel_loop3A_139 : vector<16xi32>
      %parallel_loop3A_141 = arith.addi %parallel_loop3A_127, %parallel_loop3A_140 : vector<16xi32>
      %parallel_loop3A_142 = arith.constant 16 : i32
      %parallel_loop3A_143 = arith.muli %parallel_loop3A_53, %parallel_loop3A_142 : i32
      %parallel_loop3A_144 = arith.constant 6144 : i32
      %parallel_loop3A_145 = arith.addi %parallel_loop3A_144, %parallel_loop3A_143 : i32
      %parallel_loop3A_146 = arith.index_cast %parallel_loop3A_145 : i32 to index
      %parallel_loop3A_147 = tpu.vector_load %arg4[%parallel_loop3A_146] {strides = array<i32>} : memref<16384xi32, #tpu.memory_space<vmem>>, vector<16xi32>,
      %parallel_loop3A_148 = arith.constant 65535 : i32
      %parallel_loop3A_149 = vector.broadcast %parallel_loop3A_148 : i32 to vector<16xi32>
      %parallel_loop3A_150 = arith.andi %parallel_loop3A_147, %parallel_loop3A_149 : vector<16xi32>
      %parallel_loop3A_151 = arith.addi %parallel_loop3A_137, %parallel_loop3A_150 : vector<16xi32>
      %parallel_loop3A_152 = arith.constant 16 : i32
      %parallel_loop3A_153 = vector.broadcast %parallel_loop3A_152 : i32 to vector<16xi32>
      %parallel_loop3A_154 = arith.shrsi %parallel_loop3A_147, %parallel_loop3A_153 : vector<16xi32>
      %parallel_loop3A_155 = arith.addi %parallel_loop3A_141, %parallel_loop3A_154 : vector<16xi32>
      %parallel_loop3A_156 = arith.constant 16 : i32
      %parallel_loop3A_157 = arith.muli %parallel_loop3A_53, %parallel_loop3A_156 : i32
      %parallel_loop3A_158 = arith.constant 7168 : i32
      %parallel_loop3A_159 = arith.addi %parallel_loop3A_158, %parallel_loop3A_157 : i32
      %parallel_loop3A_160 = arith.index_cast %parallel_loop3A_159 : i32 to index
      %parallel_loop3A_161 = tpu.vector_load %arg4[%parallel_loop3A_160] {strides = array<i32>} : memref<16384xi32, #tpu.memory_space<vmem>>, vector<16xi32>,
      %parallel_loop3A_162 = arith.constant 65535 : i32
      %parallel_loop3A_163 = vector.broadcast %parallel_loop3A_162 : i32 to vector<16xi32>
      %parallel_loop3A_164 = arith.andi %parallel_loop3A_161, %parallel_loop3A_163 : vector<16xi32>
      %parallel_loop3A_165 = arith.addi %parallel_loop3A_151, %parallel_loop3A_164 : vector<16xi32>
      %parallel_loop3A_166 = arith.constant 16 : i32
      %parallel_loop3A_167 = vector.broadcast %parallel_loop3A_166 : i32 to vector<16xi32>
      %parallel_loop3A_168 = arith.shrsi %parallel_loop3A_161, %parallel_loop3A_167 : vector<16xi32>
      %parallel_loop3A_169 = arith.addi %parallel_loop3A_155, %parallel_loop3A_168 : vector<16xi32>
      %parallel_loop3A_170 = arith.constant 16 : i32
      %parallel_loop3A_171 = arith.muli %parallel_loop3A_53, %parallel_loop3A_170 : i32
      %parallel_loop3A_172 = arith.constant 8192 : i32
      %parallel_loop3A_173 = arith.addi %parallel_loop3A_172, %parallel_loop3A_171 : i32
      %parallel_loop3A_174 = arith.index_cast %parallel_loop3A_173 : i32 to index
      %parallel_loop3A_175 = tpu.vector_load %arg4[%parallel_loop3A_174] {strides = array<i32>} : memref<16384xi32, #tpu.memory_space<vmem>>, vector<16xi32>,
      %parallel_loop3A_176 = arith.constant 65535 : i32
      %parallel_loop3A_177 = vector.broadcast %parallel_loop3A_176 : i32 to vector<16xi32>
      %parallel_loop3A_178 = arith.andi %parallel_loop3A_175, %parallel_loop3A_177 : vector<16xi32>
      %parallel_loop3A_179 = arith.addi %parallel_loop3A_165, %parallel_loop3A_178 : vector<16xi32>
      %parallel_loop3A_180 = arith.constant 16 : i32
      %parallel_loop3A_181 = vector.broadcast %parallel_loop3A_180 : i32 to vector<16xi32>
      %parallel_loop3A_182 = arith.shrsi %parallel_loop3A_175, %parallel_loop3A_181 : vector<16xi32>
      %parallel_loop3A_183 = arith.addi %parallel_loop3A_169, %parallel_loop3A_182 : vector<16xi32>
      %parallel_loop3A_184 = arith.constant 16 : i32
      %parallel_loop3A_185 = arith.muli %parallel_loop3A_53, %parallel_loop3A_184 : i32
      %parallel_loop3A_186 = arith.constant 9216 : i32
      %parallel_loop3A_187 = arith.addi %parallel_loop3A_186, %parallel_loop3A_185 : i32
      %parallel_loop3A_188 = arith.index_cast %parallel_loop3A_187 : i32 to index
      %parallel_loop3A_189 = tpu.vector_load %arg4[%parallel_loop3A_188] {strides = array<i32>} : memref<16384xi32, #tpu.memory_space<vmem>>, vector<16xi32>,
      %parallel_loop3A_190 = arith.constant 65535 : i32
      %parallel_loop3A_191 = vector.broadcast %parallel_loop3A_190 : i32 to vector<16xi32>
      %parallel_loop3A_192 = arith.andi %parallel_loop3A_189, %parallel_loop3A_191 : vector<16xi32>
      %parallel_loop3A_193 = arith.addi %parallel_loop3A_179, %parallel_loop3A_192 : vector<16xi32>
      %parallel_loop3A_194 = arith.constant 16 : i32
      %parallel_loop3A_195 = vector.broadcast %parallel_loop3A_194 : i32 to vector<16xi32>
      %parallel_loop3A_196 = arith.shrsi %parallel_loop3A_189, %parallel_loop3A_195 : vector<16xi32>
      %parallel_loop3A_197 = arith.addi %parallel_loop3A_183, %parallel_loop3A_196 : vector<16xi32>
      %parallel_loop3A_198 = arith.constant 16 : i32
      %parallel_loop3A_199 = arith.muli %parallel_loop3A_53, %parallel_loop3A_198 : i32
      %parallel_loop3A_200 = arith.constant 10240 : i32
      %parallel_loop3A_201 = arith.addi %parallel_loop3A_200, %parallel_loop3A_199 : i32
      %parallel_loop3A_202 = arith.index_cast %parallel_loop3A_201 : i32 to index
      %parallel_loop3A_203 = tpu.vector_load %arg4[%parallel_loop3A_202] {strides = array<i32>} : memref<16384xi32, #tpu.memory_space<vmem>>, vector<16xi32>,
      %parallel_loop3A_204 = arith.constant 65535 : i32
      %parallel_loop3A_205 = vector.broadcast %parallel_loop3A_204 : i32 to vector<16xi32>
      %parallel_loop3A_206 = arith.andi %parallel_loop3A_203, %parallel_loop3A_205 : vector<16xi32>
      %parallel_loop3A_207 = arith.addi %parallel_loop3A_193, %parallel_loop3A_206 : vector<16xi32>
      %parallel_loop3A_208 = arith.constant 16 : i32
      %parallel_loop3A_209 = vector.broadcast %parallel_loop3A_208 : i32 to vector<16xi32>
      %parallel_loop3A_210 = arith.shrsi %parallel_loop3A_203, %parallel_loop3A_209 : vector<16xi32>
      %parallel_loop3A_211 = arith.addi %parallel_loop3A_197, %parallel_loop3A_210 : vector<16xi32>
      %parallel_loop3A_212 = arith.constant 16 : i32
      %parallel_loop3A_213 = arith.muli %parallel_loop3A_53, %parallel_loop3A_212 : i32
      %parallel_loop3A_214 = arith.constant 11264 : i32
      %parallel_loop3A_215 = arith.addi %parallel_loop3A_214, %parallel_loop3A_213 : i32
      %parallel_loop3A_216 = arith.index_cast %parallel_loop3A_215 : i32 to index
      %parallel_loop3A_217 = tpu.vector_load %arg4[%parallel_loop3A_216] {strides = array<i32>} : memref<16384xi32, #tpu.memory_space<vmem>>, vector<16xi32>,
      %parallel_loop3A_218 = arith.constant 65535 : i32
      %parallel_loop3A_219 = vector.broadcast %parallel_loop3A_218 : i32 to vector<16xi32>
      %parallel_loop3A_220 = arith.andi %parallel_loop3A_217, %parallel_loop3A_219 : vector<16xi32>
      %parallel_loop3A_221 = arith.addi %parallel_loop3A_207, %parallel_loop3A_220 : vector<16xi32>
      %parallel_loop3A_222 = arith.constant 16 : i32
      %parallel_loop3A_223 = vector.broadcast %parallel_loop3A_222 : i32 to vector<16xi32>
      %parallel_loop3A_224 = arith.shrsi %parallel_loop3A_217, %parallel_loop3A_223 : vector<16xi32>
      %parallel_loop3A_225 = arith.addi %parallel_loop3A_211, %parallel_loop3A_224 : vector<16xi32>
      %parallel_loop3A_226 = arith.constant 16 : i32
      %parallel_loop3A_227 = arith.muli %parallel_loop3A_53, %parallel_loop3A_226 : i32
      %parallel_loop3A_228 = arith.constant 12288 : i32
      %parallel_loop3A_229 = arith.addi %parallel_loop3A_228, %parallel_loop3A_227 : i32
      %parallel_loop3A_230 = arith.index_cast %parallel_loop3A_229 : i32 to index
      %parallel_loop3A_231 = tpu.vector_load %arg4[%parallel_loop3A_230] {strides = array<i32>} : memref<16384xi32, #tpu.memory_space<vmem>>, vector<16xi32>,
      %parallel_loop3A_232 = arith.constant 65535 : i32
      %parallel_loop3A_233 = vector.broadcast %parallel_loop3A_232 : i32 to vector<16xi32>
      %parallel_loop3A_234 = arith.andi %parallel_loop3A_231, %parallel_loop3A_233 : vector<16xi32>
      %parallel_loop3A_235 = arith.addi %parallel_loop3A_221, %parallel_loop3A_234 : vector<16xi32>
      %parallel_loop3A_236 = arith.constant 16 : i32
      %parallel_loop3A_237 = vector.broadcast %parallel_loop3A_236 : i32 to vector<16xi32>
      %parallel_loop3A_238 = arith.shrsi %parallel_loop3A_231, %parallel_loop3A_237 : vector<16xi32>
      %parallel_loop3A_239 = arith.addi %parallel_loop3A_225, %parallel_loop3A_238 : vector<16xi32>
      %parallel_loop3A_240 = arith.constant 16 : i32
      %parallel_loop3A_241 = arith.muli %parallel_loop3A_53, %parallel_loop3A_240 : i32
      %parallel_loop3A_242 = arith.constant 13312 : i32
      %parallel_loop3A_243 = arith.addi %parallel_loop3A_242, %parallel_loop3A_241 : i32
      %parallel_loop3A_244 = arith.index_cast %parallel_loop3A_243 : i32 to index
      %parallel_loop3A_245 = tpu.vector_load %arg4[%parallel_loop3A_244] {strides = array<i32>} : memref<16384xi32, #tpu.memory_space<vmem>>, vector<16xi32>,
      %parallel_loop3A_246 = arith.constant 65535 : i32
      %parallel_loop3A_247 = vector.broadcast %parallel_loop3A_246 : i32 to vector<16xi32>
      %parallel_loop3A_248 = arith.andi %parallel_loop3A_245, %parallel_loop3A_247 : vector<16xi32>
      %parallel_loop3A_249 = arith.addi %parallel_loop3A_235, %parallel_loop3A_248 : vector<16xi32>
      %parallel_loop3A_250 = arith.constant 16 : i32
      %parallel_loop3A_251 = vector.broadcast %parallel_loop3A_250 : i32 to vector<16xi32>
      %parallel_loop3A_252 = arith.shrsi %parallel_loop3A_245, %parallel_loop3A_251 : vector<16xi32>
      %parallel_loop3A_253 = arith.addi %parallel_loop3A_239, %parallel_loop3A_252 : vector<16xi32>
      %parallel_loop3A_254 = arith.constant 16 : i32
      %parallel_loop3A_255 = arith.muli %parallel_loop3A_53, %parallel_loop3A_254 : i32
      %parallel_loop3A_256 = arith.constant 14336 : i32
      %parallel_loop3A_257 = arith.addi %parallel_loop3A_256, %parallel_loop3A_255 : i32
      %parallel_loop3A_258 = arith.index_cast %parallel_loop3A_257 : i32 to index
      %parallel_loop3A_259 = tpu.vector_load %arg4[%parallel_loop3A_258] {strides = array<i32>} : memref<16384xi32, #tpu.memory_space<vmem>>, vector<16xi32>,
      %parallel_loop3A_260 = arith.constant 65535 : i32
      %parallel_loop3A_261 = vector.broadcast %parallel_loop3A_260 : i32 to vector<16xi32>
      %parallel_loop3A_262 = arith.andi %parallel_loop3A_259, %parallel_loop3A_261 : vector<16xi32>
      %parallel_loop3A_263 = arith.addi %parallel_loop3A_249, %parallel_loop3A_262 : vector<16xi32>
      %parallel_loop3A_264 = arith.constant 16 : i32
      %parallel_loop3A_265 = vector.broadcast %parallel_loop3A_264 : i32 to vector<16xi32>
      %parallel_loop3A_266 = arith.shrsi %parallel_loop3A_259, %parallel_loop3A_265 : vector<16xi32>
      %parallel_loop3A_267 = arith.addi %parallel_loop3A_253, %parallel_loop3A_266 : vector<16xi32>
      %parallel_loop3A_268 = arith.constant 16 : i32
      %parallel_loop3A_269 = arith.muli %parallel_loop3A_53, %parallel_loop3A_268 : i32
      %parallel_loop3A_270 = arith.constant 15360 : i32
      %parallel_loop3A_271 = arith.addi %parallel_loop3A_270, %parallel_loop3A_269 : i32
      %parallel_loop3A_272 = arith.index_cast %parallel_loop3A_271 : i32 to index
      %parallel_loop3A_273 = tpu.vector_load %arg4[%parallel_loop3A_272] {strides = array<i32>} : memref<16384xi32, #tpu.memory_space<vmem>>, vector<16xi32>,
      %parallel_loop3A_274 = arith.constant 65535 : i32
      %parallel_loop3A_275 = vector.broadcast %parallel_loop3A_274 : i32 to vector<16xi32>
      %parallel_loop3A_276 = arith.andi %parallel_loop3A_273, %parallel_loop3A_275 : vector<16xi32>
      %parallel_loop3A_277 = arith.addi %parallel_loop3A_263, %parallel_loop3A_276 : vector<16xi32>
      %parallel_loop3A_278 = arith.constant 16 : i32
      %parallel_loop3A_279 = vector.broadcast %parallel_loop3A_278 : i32 to vector<16xi32>
      %parallel_loop3A_280 = arith.shrsi %parallel_loop3A_273, %parallel_loop3A_279 : vector<16xi32>
      %parallel_loop3A_281 = arith.addi %parallel_loop3A_267, %parallel_loop3A_280 : vector<16xi32>
      %parallel_loop3A_282 = arith.constant 16 : i32
      %parallel_loop3A_283 = arith.muli %parallel_loop3A_53, %parallel_loop3A_282 : i32
      %parallel_loop3A_284 = arith.index_cast %parallel_loop3A_283 : i32 to index
      %parallel_loop3A_285 = tpu.vector_load %arg7[%parallel_loop3A_284] {strides = array<i32>} : memref<1024xi32, #tpu.memory_space<vmem>>, vector<16xi32>,
      tpu.vector_store %arg7[%parallel_loop3A_284], %parallel_loop3A_277 {strides = array<i32>} : memref<1024xi32, #tpu.memory_space<vmem>>, vector<16xi32>,
      %parallel_loop3A_286 = arith.constant 16 : i32
      %parallel_loop3A_287 = arith.muli %parallel_loop3A_53, %parallel_loop3A_286 : i32
      %parallel_loop3A_288 = arith.index_cast %parallel_loop3A_287 : i32 to index
      %parallel_loop3A_289 = tpu.vector_load %arg8[%parallel_loop3A_288] {strides = array<i32>} : memref<1024xi32, #tpu.memory_space<vmem>>, vector<16xi32>,
      tpu.vector_store %arg8[%parallel_loop3A_288], %parallel_loop3A_281 {strides = array<i32>} : memref<1024xi32, #tpu.memory_space<vmem>>, vector<16xi32>,
    } {sc.loop_unroll_factor = 4 : i64, sc.parallel_access}
    %mul3A_43 = arith.constant 2 : i32
    %mul3A_44 = arith.muli %add3A, %mul3A_43 : i32
    %mul3A_45 = arith.constant 1024 : i32
    %mul3A_46 = arith.muli %mul3A_44, %mul3A_45 : i32
    "tpu.region"() ({
      %run_scoped3A = tpu.sem_alloc : memref<!tpu.dma_semaphore, #tpu.memory_space<semaphore_mem>>
      %dma_start3A_53 = tpu.memref_slice %arg3[%mul3A_46] : memref<65536xi32, #tpu.memory_space<hbm>> -> memref<1024xi32, #tpu.memory_space<hbm>>
      %dma_start3A_54 = tpu.memref_slice %arg3[%mul3A_46] : memref<65536xi32, #tpu.memory_space<hbm>> -> memref<1024xi32, #tpu.memory_space<hbm>>
      tpu.enqueue_dma source(%arg7 : memref<1024xi32, #tpu.memory_space<vmem>>) target(%dma_start3A_54 : memref<1024xi32, #tpu.memory_space<hbm>>) target_semaphore(%run_scoped3A : memref<!tpu.dma_semaphore, #tpu.memory_space<semaphore_mem>>)
      %dma_wait3A_55 = tpu.memref_slice %arg3[%mul3A_46] : memref<65536xi32, #tpu.memory_space<hbm>> -> memref<1024xi32, #tpu.memory_space<hbm>>
      %dma_wait3A_56 = tpu.memref_slice %arg3[%mul3A_46] : memref<65536xi32, #tpu.memory_space<hbm>> -> memref<1024xi32, #tpu.memory_space<hbm>>
      tpu.wait_dma2 semaphore(%run_scoped3A : memref<!tpu.dma_semaphore, #tpu.memory_space<semaphore_mem>>) src(%arg7 : memref<1024xi32, #tpu.memory_space<vmem>>) dst(%dma_wait3A_56 : memref<1024xi32, #tpu.memory_space<hbm>>)
      tpu.yield
    }) : () -> ()
    %mul3A_47 = arith.constant 2 : i32
    %mul3A_48 = arith.muli %add3A, %mul3A_47 : i32
    %mul3A_49 = arith.constant 1024 : i32
    %mul3A_50 = arith.muli %mul3A_48, %mul3A_49 : i32
    %add3A_51 = arith.constant 1024 : i32
    %add3A_52 = arith.addi %mul3A_50, %add3A_51 : i32
    "tpu.region"() ({
      %run_scoped3A = tpu.sem_alloc : memref<!tpu.dma_semaphore, #tpu.memory_space<semaphore_mem>>
      %dma_start3A_53 = tpu.memref_slice %arg3[%add3A_52] : memref<65536xi32, #tpu.memory_space<hbm>> -> memref<1024xi32, #tpu.memory_space<hbm>>
      %dma_start3A_54 = tpu.memref_slice %arg3[%add3A_52] : memref<65536xi32, #tpu.memory_space<hbm>> -> memref<1024xi32, #tpu.memory_space<hbm>>
      tpu.enqueue_dma source(%arg8 : memref<1024xi32, #tpu.memory_space<vmem>>) target(%dma_start3A_54 : memref<1024xi32, #tpu.memory_space<hbm>>) target_semaphore(%run_scoped3A : memref<!tpu.dma_semaphore, #tpu.memory_space<semaphore_mem>>)
      %dma_wait3A_55 = tpu.memref_slice %arg3[%add3A_52] : memref<65536xi32, #tpu.memory_space<hbm>> -> memref<1024xi32, #tpu.memory_space<hbm>>
      %dma_wait3A_56 = tpu.memref_slice %arg3[%add3A_52] : memref<65536xi32, #tpu.memory_space<hbm>> -> memref<1024xi32, #tpu.memory_space<hbm>>
      tpu.wait_dma2 semaphore(%run_scoped3A : memref<!tpu.dma_semaphore, #tpu.memory_space<semaphore_mem>>) src(%arg8 : memref<1024xi32, #tpu.memory_space<vmem>>) dst(%dma_wait3A_56 : memref<1024xi32, #tpu.memory_space<hbm>>)
      tpu.yield
    }) : () -> ()
    return
  }
}

module attributes {stable_mosaic.version = 14 : i64} {
  func.func @_tc_finalize_body(%arg0: memref<512x128xi32, #tpu.memory_space<vmem>>, %arg1: memref<1x1xf32, #tpu.memory_space<smem>>) attributes {dimension_semantics = [], scalar_prefetch = 0 : i64, scratch_operands = 0 : i64, tpu.core_type = #tpu.core_type<tc>} {
    %get3A = arith.constant 0 : index
    %get3A_0 = arith.constant 0 : index
    %get3A_1 = vector.load %arg0[%get3A, %get3A_0] : memref<512x128xi32, #tpu.memory_space<vmem>>, vector<512x128xi32>
    %convert_element_type3A = arith.sitofp %get3A_1 : vector<512x128xi32> to vector<512x128xf32>
    %iota3A = tpu.iota {dimensions = array<i32: 0>} : vector<128x128xi32>
    %iota3A_2 = tpu.iota {dimensions = array<i32: 1>} : vector<128x128xi32>
    %ge3A = arith.cmpi sge, %iota3A, %iota3A_2 : vector<128x128xi32>
    %convert_element_type3A_3 = arith.extui %ge3A : vector<128x128xi1> to vector<128x128xi32>
    %convert_element_type3A_4 = arith.sitofp %convert_element_type3A_3 : vector<128x128xi32> to vector<128x128xf32>
    %iota3A_5 = tpu.iota {dimensions = array<i32: 0>} : vector<8x8xi32>
    %iota3A_6 = tpu.iota {dimensions = array<i32: 1>} : vector<8x8xi32>
    %gt3A = arith.cmpi sgt, %iota3A_6, %iota3A_5 : vector<8x8xi32>
    %convert_element_type3A_7 = arith.extui %gt3A : vector<8x8xi1> to vector<8x8xi32>
    %convert_element_type3A_8 = arith.sitofp %convert_element_type3A_7 : vector<8x8xi32> to vector<8x8xf32>
    %iota3A_9 = tpu.iota {dimensions = array<i32: 0>} : vector<8x1xi32>
    %convert_element_type3A_10 = arith.sitofp %iota3A_9 : vector<8x1xi32> to vector<8x1xf32>
    %iota3A_11 = tpu.iota {dimensions = array<i32: 1>} : vector<1x128xi32>
    %convert_element_type3A_12 = arith.sitofp %iota3A_11 : vector<1x128xi32> to vector<1x128xf32>
    %mul3A = arith.constant 1.280000e+02 : f32
    %mul3A_13 = vector.broadcast %mul3A : f32 to vector<8x1xf32>
    %mul3A_14 = arith.mulf %convert_element_type3A_10, %mul3A_13 : vector<8x1xf32>
    %add3A = vector.broadcast %mul3A_14 : vector<8x1xf32> to vector<8x128xf32>
    %add3A_15 = vector.broadcast %convert_element_type3A_12 : vector<1x128xf32> to vector<8x128xf32>
    %add3A_16 = arith.addf %add3A, %add3A_15 : vector<8x128xf32>
    %mul3A_17 = arith.constant 1.562500e-02 : f32
    %mul3A_18 = vector.broadcast %mul3A_17 : f32 to vector<8x128xf32>
    %mul3A_19 = arith.mulf %add3A_16, %mul3A_18 : vector<8x128xf32>
    %add3A_20 = arith.constant -7.9921875 : f32
    %add3A_21 = vector.broadcast %add3A_20 : f32 to vector<8x128xf32>
    %add3A_22 = arith.addf %add3A_21, %mul3A_19 : vector<8x128xf32>
    %neg3A = arith.constant 0.000000e+00 : f32
    %neg3A_23 = vector.broadcast %neg3A : f32 to vector<8x128xf32>
    %neg3A_24 = arith.subf %neg3A_23, %add3A_22 : vector<8x128xf32>
    %exp3A = math.exp %neg3A_24 : vector<8x128xf32>
    %add3A_25 = arith.constant 1.000000e+00 : f32
    %add3A_26 = vector.broadcast %add3A_25 : f32 to vector<8x128xf32>
    %add3A_27 = arith.addf %add3A_26, %exp3A : vector<8x128xf32>
    %div3A = arith.constant 1.000000e+00 : f32
    %div3A_28 = vector.broadcast %div3A : f32 to vector<8x128xf32>
    %div3A_29 = arith.divf %div3A_28, %add3A_27 : vector<8x128xf32>
    %broadcast_in_dim3A = arith.constant 0.000000e+00 : f32
    %broadcast_in_dim3A_30 = vector.broadcast %broadcast_in_dim3A : f32 to vector<1x1xf32>
    %broadcast_in_dim3A_31 = arith.constant 0.000000e+00 : f32
    %broadcast_in_dim3A_32 = vector.broadcast %broadcast_in_dim3A_31 : f32 to vector<8x128xf32>
    %broadcast_in_dim3A_33 = arith.constant 0.000000e+00 : f32
    %broadcast_in_dim3A_34 = vector.broadcast %broadcast_in_dim3A_33 : f32 to vector<8x128xf32>
    %slice3A = vector.extract_strided_slice %convert_element_type3A {offsets = [0, 0], sizes = [8, 128], strides = [1, 1]} : vector<512x128xf32> to vector<8x128xf32>
    %add3A_35 = arith.addf %broadcast_in_dim3A_32, %slice3A : vector<8x128xf32>
    %slice3A_36 = vector.extract_strided_slice %convert_element_type3A {offsets = [8, 0], sizes = [8, 128], strides = [1, 1]} : vector<512x128xf32> to vector<8x128xf32>
    %add3A_37 = arith.addf %broadcast_in_dim3A_34, %slice3A_36 : vector<8x128xf32>
    %slice3A_38 = vector.extract_strided_slice %convert_element_type3A {offsets = [16, 0], sizes = [8, 128], strides = [1, 1]} : vector<512x128xf32> to vector<8x128xf32>
    %add3A_39 = arith.addf %add3A_35, %slice3A_38 : vector<8x128xf32>
    %slice3A_40 = vector.extract_strided_slice %convert_element_type3A {offsets = [24, 0], sizes = [8, 128], strides = [1, 1]} : vector<512x128xf32> to vector<8x128xf32>
    %add3A_41 = arith.addf %add3A_37, %slice3A_40 : vector<8x128xf32>
    %slice3A_42 = vector.extract_strided_slice %convert_element_type3A {offsets = [32, 0], sizes = [8, 128], strides = [1, 1]} : vector<512x128xf32> to vector<8x128xf32>
    %add3A_43 = arith.addf %add3A_39, %slice3A_42 : vector<8x128xf32>
    %slice3A_44 = vector.extract_strided_slice %convert_element_type3A {offsets = [40, 0], sizes = [8, 128], strides = [1, 1]} : vector<512x128xf32> to vector<8x128xf32>
    %add3A_45 = arith.addf %add3A_41, %slice3A_44 : vector<8x128xf32>
    %slice3A_46 = vector.extract_strided_slice %convert_element_type3A {offsets = [48, 0], sizes = [8, 128], strides = [1, 1]} : vector<512x128xf32> to vector<8x128xf32>
    %add3A_47 = arith.addf %add3A_43, %slice3A_46 : vector<8x128xf32>
    %slice3A_48 = vector.extract_strided_slice %convert_element_type3A {offsets = [56, 0], sizes = [8, 128], strides = [1, 1]} : vector<512x128xf32> to vector<8x128xf32>
    %add3A_49 = arith.addf %add3A_45, %slice3A_48 : vector<8x128xf32>
    %dot_general3A = arith.constant dense<0.000000e+00> : vector<8x128xf32>
    %dot_general3A_50 = tpu.matmul %add3A_47, %convert_element_type3A_4, %dot_general3A {dimension_numbers = #tpu.dot_dimension_numbers<[1], [0], [0], [1], [0, 0, 1, 1], [], []>, transpose_lhs_hint = false} : vector<8x128xf32>, vector<128x128xf32>, vector<8x128xf32> -> vector<8x128xf32>
    %dot_general3A_51 = arith.constant dense<0.000000e+00> : vector<8x128xf32>
    %dot_general3A_52 = tpu.matmul %add3A_49, %convert_element_type3A_4, %dot_general3A_51 {dimension_numbers = #tpu.dot_dimension_numbers<[1], [0], [0], [1], [0, 0, 1, 1], [], []>, transpose_lhs_hint = false} : vector<8x128xf32>, vector<128x128xf32>, vector<8x128xf32> -> vector<8x128xf32>
    %slice3A_53 = vector.extract_strided_slice %dot_general3A_50 {offsets = [0, 0], sizes = [8, 1], strides = [1, 1]} : vector<8x128xf32> to vector<8x1xf32>
    %slice3A_54 = vector.extract_strided_slice %dot_general3A_52 {offsets = [0, 0], sizes = [8, 1], strides = [1, 1]} : vector<8x128xf32> to vector<8x1xf32>
    %dot_general3A_55 = arith.constant dense<0.000000e+00> : vector<8x1xf32>
    %dot_general3A_56 = tpu.matmul %convert_element_type3A_8, %slice3A_53, %dot_general3A_55 {dimension_numbers = #tpu.dot_dimension_numbers<[1], [0], [0], [1], [0, 0, 1, 1], [], []>, transpose_lhs_hint = false} : vector<8x8xf32>, vector<8x1xf32>, vector<8x1xf32> -> vector<8x1xf32>
    %dot_general3A_57 = arith.constant dense<0.000000e+00> : vector<8x1xf32>
    %dot_general3A_58 = tpu.matmul %convert_element_type3A_8, %slice3A_54, %dot_general3A_57 {dimension_numbers = #tpu.dot_dimension_numbers<[1], [0], [0], [1], [0, 0, 1, 1], [], []>, transpose_lhs_hint = false} : vector<8x8xf32>, vector<8x1xf32>, vector<8x1xf32> -> vector<8x1xf32>
    %add3A_59 = vector.broadcast %dot_general3A_56 : vector<8x1xf32> to vector<8x128xf32>
    %add3A_60 = arith.addf %dot_general3A_50, %add3A_59 : vector<8x128xf32>
    %add3A_61 = vector.broadcast %dot_general3A_58 : vector<8x1xf32> to vector<8x128xf32>
    %add3A_62 = arith.addf %dot_general3A_52, %add3A_61 : vector<8x128xf32>
    %reduce_sum3A = vector.shape_cast %slice3A_54 : vector<8x1xf32> to vector<1x8x1xf32>
    %reduce_sum3A_63 = arith.constant dense<0.000000e+00> : vector<1xf32>
    %reduce_sum3A_64 = vector.multi_reduction <add>, %reduce_sum3A, %reduce_sum3A_63 [1, 2] : vector<1x8x1xf32> to vector<1xf32>
    %reduce_sum3A_65 = vector.shape_cast %reduce_sum3A_64 : vector<1xf32> to vector<1x1x1xf32>
    %reduce_sum3A_66 = vector.extract %reduce_sum3A_65[0, 0, 0] : f32 from vector<1x1x1xf32>
    %add3A_67 = vector.broadcast %reduce_sum3A_66 : f32 to vector<8x128xf32>
    %add3A_68 = arith.addf %add3A_67, %add3A_60 : vector<8x128xf32>
    %sub3A = arith.subf %add3A_68, %add3A_62 : vector<8x128xf32>
    %max3A = arith.constant 1.000000e+00 : f32
    %max3A_69 = vector.broadcast %max3A : f32 to vector<8x128xf32>
    %max3A_70 = arith.maximumf %sub3A, %max3A_69 : vector<8x128xf32>
    %gt3A_71 = arith.constant 0.000000e+00 : f32
    %gt3A_72 = vector.broadcast %gt3A_71 : f32 to vector<8x128xf32>
    %gt3A_73 = arith.cmpf ogt, %add3A_60, %gt3A_72 : vector<8x128xf32>
    %sub3A_74 = vector.broadcast %reduce_sum3A_66 : f32 to vector<8x128xf32>
    %sub3A_75 = arith.subf %sub3A_74, %add3A_62 : vector<8x128xf32>
    %div3A_76 = arith.divf %sub3A_75, %max3A_70 : vector<8x128xf32>
    %sub3A_77 = arith.constant 1.000000e+00 : f32
    %sub3A_78 = vector.broadcast %sub3A_77 : f32 to vector<8x128xf32>
    %sub3A_79 = arith.subf %sub3A_78, %div3A_76 : vector<8x128xf32>
    %jit3A = arith.constant 0.000000e+00 : f32
    %broadcast_in_dim3A_80 = vector.broadcast %jit3A : f32 to vector<8x128xf32>
    %select_n3A = arith.select %gt3A_73, %sub3A_79, %broadcast_in_dim3A_80 : vector<8x128xi1>, vector<8x128xf32>
    %sub3A_81 = arith.subf %add3A_60, %add3A_47 : vector<8x128xf32>
    %sub3A_82 = arith.subf %add3A_62, %add3A_49 : vector<8x128xf32>
    %add3A_83 = vector.broadcast %reduce_sum3A_66 : f32 to vector<8x128xf32>
    %add3A_84 = arith.addf %add3A_83, %sub3A_81 : vector<8x128xf32>
    %sub3A_85 = arith.subf %add3A_84, %sub3A_82 : vector<8x128xf32>
    %max3A_86 = arith.constant 1.000000e+00 : f32
    %max3A_87 = vector.broadcast %max3A_86 : f32 to vector<8x128xf32>
    %max3A_88 = arith.maximumf %sub3A_85, %max3A_87 : vector<8x128xf32>
    %gt3A_89 = arith.constant 0.000000e+00 : f32
    %gt3A_90 = vector.broadcast %gt3A_89 : f32 to vector<8x128xf32>
    %gt3A_91 = arith.cmpf ogt, %sub3A_81, %gt3A_90 : vector<8x128xf32>
    %sub3A_92 = vector.broadcast %reduce_sum3A_66 : f32 to vector<8x128xf32>
    %sub3A_93 = arith.subf %sub3A_92, %sub3A_82 : vector<8x128xf32>
    %div3A_94 = arith.divf %sub3A_93, %max3A_88 : vector<8x128xf32>
    %sub3A_95 = arith.constant 1.000000e+00 : f32
    %sub3A_96 = vector.broadcast %sub3A_95 : f32 to vector<8x128xf32>
    %sub3A_97 = arith.subf %sub3A_96, %div3A_94 : vector<8x128xf32>
    %jit3A_98 = arith.constant 0.000000e+00 : f32
    %broadcast_in_dim3A_99 = vector.broadcast %jit3A_98 : f32 to vector<8x128xf32>
    %select_n3A_100 = arith.select %gt3A_91, %sub3A_97, %broadcast_in_dim3A_99 : vector<8x128xi1>, vector<8x128xf32>
    %sub3A_101 = arith.subf %select_n3A, %select_n3A_100 : vector<8x128xf32>
    %mul3A_102 = arith.mulf %div3A_29, %sub3A_101 : vector<8x128xf32>
    %reduce_sum3A_103 = vector.shape_cast %mul3A_102 : vector<8x128xf32> to vector<1x8x128xf32>
    %reduce_sum3A_104 = arith.constant dense<0.000000e+00> : vector<1xf32>
    %reduce_sum3A_105 = vector.multi_reduction <add>, %reduce_sum3A_103, %reduce_sum3A_104 [1, 2] : vector<1x8x128xf32> to vector<1xf32>
    %reduce_sum3A_106 = vector.shape_cast %reduce_sum3A_105 : vector<1xf32> to vector<1x1x1xf32>
    %reduce_sum3A_107 = vector.extract %reduce_sum3A_106[0, 0, 0] : f32 from vector<1x1x1xf32>
    %reshape3A = vector.broadcast %reduce_sum3A_107 : f32 to vector<1x1xf32>
    %add3A_108 = arith.addf %broadcast_in_dim3A_30, %reshape3A : vector<1x1xf32>
    %broadcast_in_dim3A_109 = arith.constant 0.000000e+00 : f32
    %broadcast_in_dim3A_110 = vector.broadcast %broadcast_in_dim3A_109 : f32 to vector<8x128xf32>
    %broadcast_in_dim3A_111 = arith.constant 0.000000e+00 : f32
    %broadcast_in_dim3A_112 = vector.broadcast %broadcast_in_dim3A_111 : f32 to vector<8x128xf32>
    %slice3A_113 = vector.extract_strided_slice %convert_element_type3A {offsets = [64, 0], sizes = [8, 128], strides = [1, 1]} : vector<512x128xf32> to vector<8x128xf32>
    %add3A_114 = arith.addf %broadcast_in_dim3A_110, %slice3A_113 : vector<8x128xf32>
    %slice3A_115 = vector.extract_strided_slice %convert_element_type3A {offsets = [72, 0], sizes = [8, 128], strides = [1, 1]} : vector<512x128xf32> to vector<8x128xf32>
    %add3A_116 = arith.addf %broadcast_in_dim3A_112, %slice3A_115 : vector<8x128xf32>
    %slice3A_117 = vector.extract_strided_slice %convert_element_type3A {offsets = [80, 0], sizes = [8, 128], strides = [1, 1]} : vector<512x128xf32> to vector<8x128xf32>
    %add3A_118 = arith.addf %add3A_114, %slice3A_117 : vector<8x128xf32>
    %slice3A_119 = vector.extract_strided_slice %convert_element_type3A {offsets = [88, 0], sizes = [8, 128], strides = [1, 1]} : vector<512x128xf32> to vector<8x128xf32>
    %add3A_120 = arith.addf %add3A_116, %slice3A_119 : vector<8x128xf32>
    %slice3A_121 = vector.extract_strided_slice %convert_element_type3A {offsets = [96, 0], sizes = [8, 128], strides = [1, 1]} : vector<512x128xf32> to vector<8x128xf32>
    %add3A_122 = arith.addf %add3A_118, %slice3A_121 : vector<8x128xf32>
    %slice3A_123 = vector.extract_strided_slice %convert_element_type3A {offsets = [104, 0], sizes = [8, 128], strides = [1, 1]} : vector<512x128xf32> to vector<8x128xf32>
    %add3A_124 = arith.addf %add3A_120, %slice3A_123 : vector<8x128xf32>
    %slice3A_125 = vector.extract_strided_slice %convert_element_type3A {offsets = [112, 0], sizes = [8, 128], strides = [1, 1]} : vector<512x128xf32> to vector<8x128xf32>
    %add3A_126 = arith.addf %add3A_122, %slice3A_125 : vector<8x128xf32>
    %slice3A_127 = vector.extract_strided_slice %convert_element_type3A {offsets = [120, 0], sizes = [8, 128], strides = [1, 1]} : vector<512x128xf32> to vector<8x128xf32>
    %add3A_128 = arith.addf %add3A_124, %slice3A_127 : vector<8x128xf32>
    %dot_general3A_129 = arith.constant dense<0.000000e+00> : vector<8x128xf32>
    %dot_general3A_130 = tpu.matmul %add3A_126, %convert_element_type3A_4, %dot_general3A_129 {dimension_numbers = #tpu.dot_dimension_numbers<[1], [0], [0], [1], [0, 0, 1, 1], [], []>, transpose_lhs_hint = false} : vector<8x128xf32>, vector<128x128xf32>, vector<8x128xf32> -> vector<8x128xf32>
    %dot_general3A_131 = arith.constant dense<0.000000e+00> : vector<8x128xf32>
    %dot_general3A_132 = tpu.matmul %add3A_128, %convert_element_type3A_4, %dot_general3A_131 {dimension_numbers = #tpu.dot_dimension_numbers<[1], [0], [0], [1], [0, 0, 1, 1], [], []>, transpose_lhs_hint = false} : vector<8x128xf32>, vector<128x128xf32>, vector<8x128xf32> -> vector<8x128xf32>
    %slice3A_133 = vector.extract_strided_slice %dot_general3A_130 {offsets = [0, 0], sizes = [8, 1], strides = [1, 1]} : vector<8x128xf32> to vector<8x1xf32>
    %slice3A_134 = vector.extract_strided_slice %dot_general3A_132 {offsets = [0, 0], sizes = [8, 1], strides = [1, 1]} : vector<8x128xf32> to vector<8x1xf32>
    %dot_general3A_135 = arith.constant dense<0.000000e+00> : vector<8x1xf32>
    %dot_general3A_136 = tpu.matmul %convert_element_type3A_8, %slice3A_133, %dot_general3A_135 {dimension_numbers = #tpu.dot_dimension_numbers<[1], [0], [0], [1], [0, 0, 1, 1], [], []>, transpose_lhs_hint = false} : vector<8x8xf32>, vector<8x1xf32>, vector<8x1xf32> -> vector<8x1xf32>
    %dot_general3A_137 = arith.constant dense<0.000000e+00> : vector<8x1xf32>
    %dot_general3A_138 = tpu.matmul %convert_element_type3A_8, %slice3A_134, %dot_general3A_137 {dimension_numbers = #tpu.dot_dimension_numbers<[1], [0], [0], [1], [0, 0, 1, 1], [], []>, transpose_lhs_hint = false} : vector<8x8xf32>, vector<8x1xf32>, vector<8x1xf32> -> vector<8x1xf32>
    %add3A_139 = vector.broadcast %dot_general3A_136 : vector<8x1xf32> to vector<8x128xf32>
    %add3A_140 = arith.addf %dot_general3A_130, %add3A_139 : vector<8x128xf32>
    %add3A_141 = vector.broadcast %dot_general3A_138 : vector<8x1xf32> to vector<8x128xf32>
    %add3A_142 = arith.addf %dot_general3A_132, %add3A_141 : vector<8x128xf32>
    %reduce_sum3A_143 = vector.shape_cast %slice3A_134 : vector<8x1xf32> to vector<1x8x1xf32>
    %reduce_sum3A_144 = arith.constant dense<0.000000e+00> : vector<1xf32>
    %reduce_sum3A_145 = vector.multi_reduction <add>, %reduce_sum3A_143, %reduce_sum3A_144 [1, 2] : vector<1x8x1xf32> to vector<1xf32>
    %reduce_sum3A_146 = vector.shape_cast %reduce_sum3A_145 : vector<1xf32> to vector<1x1x1xf32>
    %reduce_sum3A_147 = vector.extract %reduce_sum3A_146[0, 0, 0] : f32 from vector<1x1x1xf32>
    %add3A_148 = vector.broadcast %reduce_sum3A_147 : f32 to vector<8x128xf32>
    %add3A_149 = arith.addf %add3A_148, %add3A_140 : vector<8x128xf32>
    %sub3A_150 = arith.subf %add3A_149, %add3A_142 : vector<8x128xf32>
    %max3A_151 = arith.constant 1.000000e+00 : f32
    %max3A_152 = vector.broadcast %max3A_151 : f32 to vector<8x128xf32>
    %max3A_153 = arith.maximumf %sub3A_150, %max3A_152 : vector<8x128xf32>
    %gt3A_154 = arith.constant 0.000000e+00 : f32
    %gt3A_155 = vector.broadcast %gt3A_154 : f32 to vector<8x128xf32>
    %gt3A_156 = arith.cmpf ogt, %add3A_140, %gt3A_155 : vector<8x128xf32>
    %sub3A_157 = vector.broadcast %reduce_sum3A_147 : f32 to vector<8x128xf32>
    %sub3A_158 = arith.subf %sub3A_157, %add3A_142 : vector<8x128xf32>
    %div3A_159 = arith.divf %sub3A_158, %max3A_153 : vector<8x128xf32>
    %sub3A_160 = arith.constant 1.000000e+00 : f32
    %sub3A_161 = vector.broadcast %sub3A_160 : f32 to vector<8x128xf32>
    %sub3A_162 = arith.subf %sub3A_161, %div3A_159 : vector<8x128xf32>
    %jit3A_163 = arith.constant 0.000000e+00 : f32
    %broadcast_in_dim3A_164 = vector.broadcast %jit3A_163 : f32 to vector<8x128xf32>
    %select_n3A_165 = arith.select %gt3A_156, %sub3A_162, %broadcast_in_dim3A_164 : vector<8x128xi1>, vector<8x128xf32>
    %sub3A_166 = arith.subf %add3A_140, %add3A_126 : vector<8x128xf32>
    %sub3A_167 = arith.subf %add3A_142, %add3A_128 : vector<8x128xf32>
    %add3A_168 = vector.broadcast %reduce_sum3A_147 : f32 to vector<8x128xf32>
    %add3A_169 = arith.addf %add3A_168, %sub3A_166 : vector<8x128xf32>
    %sub3A_170 = arith.subf %add3A_169, %sub3A_167 : vector<8x128xf32>
    %max3A_171 = arith.constant 1.000000e+00 : f32
    %max3A_172 = vector.broadcast %max3A_171 : f32 to vector<8x128xf32>
    %max3A_173 = arith.maximumf %sub3A_170, %max3A_172 : vector<8x128xf32>
    %gt3A_174 = arith.constant 0.000000e+00 : f32
    %gt3A_175 = vector.broadcast %gt3A_174 : f32 to vector<8x128xf32>
    %gt3A_176 = arith.cmpf ogt, %sub3A_166, %gt3A_175 : vector<8x128xf32>
    %sub3A_177 = vector.broadcast %reduce_sum3A_147 : f32 to vector<8x128xf32>
    %sub3A_178 = arith.subf %sub3A_177, %sub3A_167 : vector<8x128xf32>
    %div3A_179 = arith.divf %sub3A_178, %max3A_173 : vector<8x128xf32>
    %sub3A_180 = arith.constant 1.000000e+00 : f32
    %sub3A_181 = vector.broadcast %sub3A_180 : f32 to vector<8x128xf32>
    %sub3A_182 = arith.subf %sub3A_181, %div3A_179 : vector<8x128xf32>
    %jit3A_183 = arith.constant 0.000000e+00 : f32
    %broadcast_in_dim3A_184 = vector.broadcast %jit3A_183 : f32 to vector<8x128xf32>
    %select_n3A_185 = arith.select %gt3A_176, %sub3A_182, %broadcast_in_dim3A_184 : vector<8x128xi1>, vector<8x128xf32>
    %sub3A_186 = arith.subf %select_n3A_165, %select_n3A_185 : vector<8x128xf32>
    %mul3A_187 = arith.mulf %div3A_29, %sub3A_186 : vector<8x128xf32>
    %reduce_sum3A_188 = vector.shape_cast %mul3A_187 : vector<8x128xf32> to vector<1x8x128xf32>
    %reduce_sum3A_189 = arith.constant dense<0.000000e+00> : vector<1xf32>
    %reduce_sum3A_190 = vector.multi_reduction <add>, %reduce_sum3A_188, %reduce_sum3A_189 [1, 2] : vector<1x8x128xf32> to vector<1xf32>
    %reduce_sum3A_191 = vector.shape_cast %reduce_sum3A_190 : vector<1xf32> to vector<1x1x1xf32>
    %reduce_sum3A_192 = vector.extract %reduce_sum3A_191[0, 0, 0] : f32 from vector<1x1x1xf32>
    %reshape3A_193 = vector.broadcast %reduce_sum3A_192 : f32 to vector<1x1xf32>
    %add3A_194 = arith.addf %add3A_108, %reshape3A_193 : vector<1x1xf32>
    %broadcast_in_dim3A_195 = arith.constant 0.000000e+00 : f32
    %broadcast_in_dim3A_196 = vector.broadcast %broadcast_in_dim3A_195 : f32 to vector<8x128xf32>
    %broadcast_in_dim3A_197 = arith.constant 0.000000e+00 : f32
    %broadcast_in_dim3A_198 = vector.broadcast %broadcast_in_dim3A_197 : f32 to vector<8x128xf32>
    %slice3A_199 = vector.extract_strided_slice %convert_element_type3A {offsets = [128, 0], sizes = [8, 128], strides = [1, 1]} : vector<512x128xf32> to vector<8x128xf32>
    %add3A_200 = arith.addf %broadcast_in_dim3A_196, %slice3A_199 : vector<8x128xf32>
    %slice3A_201 = vector.extract_strided_slice %convert_element_type3A {offsets = [136, 0], sizes = [8, 128], strides = [1, 1]} : vector<512x128xf32> to vector<8x128xf32>
    %add3A_202 = arith.addf %broadcast_in_dim3A_198, %slice3A_201 : vector<8x128xf32>
    %slice3A_203 = vector.extract_strided_slice %convert_element_type3A {offsets = [144, 0], sizes = [8, 128], strides = [1, 1]} : vector<512x128xf32> to vector<8x128xf32>
    %add3A_204 = arith.addf %add3A_200, %slice3A_203 : vector<8x128xf32>
    %slice3A_205 = vector.extract_strided_slice %convert_element_type3A {offsets = [152, 0], sizes = [8, 128], strides = [1, 1]} : vector<512x128xf32> to vector<8x128xf32>
    %add3A_206 = arith.addf %add3A_202, %slice3A_205 : vector<8x128xf32>
    %slice3A_207 = vector.extract_strided_slice %convert_element_type3A {offsets = [160, 0], sizes = [8, 128], strides = [1, 1]} : vector<512x128xf32> to vector<8x128xf32>
    %add3A_208 = arith.addf %add3A_204, %slice3A_207 : vector<8x128xf32>
    %slice3A_209 = vector.extract_strided_slice %convert_element_type3A {offsets = [168, 0], sizes = [8, 128], strides = [1, 1]} : vector<512x128xf32> to vector<8x128xf32>
    %add3A_210 = arith.addf %add3A_206, %slice3A_209 : vector<8x128xf32>
    %slice3A_211 = vector.extract_strided_slice %convert_element_type3A {offsets = [176, 0], sizes = [8, 128], strides = [1, 1]} : vector<512x128xf32> to vector<8x128xf32>
    %add3A_212 = arith.addf %add3A_208, %slice3A_211 : vector<8x128xf32>
    %slice3A_213 = vector.extract_strided_slice %convert_element_type3A {offsets = [184, 0], sizes = [8, 128], strides = [1, 1]} : vector<512x128xf32> to vector<8x128xf32>
    %add3A_214 = arith.addf %add3A_210, %slice3A_213 : vector<8x128xf32>
    %dot_general3A_215 = arith.constant dense<0.000000e+00> : vector<8x128xf32>
    %dot_general3A_216 = tpu.matmul %add3A_212, %convert_element_type3A_4, %dot_general3A_215 {dimension_numbers = #tpu.dot_dimension_numbers<[1], [0], [0], [1], [0, 0, 1, 1], [], []>, transpose_lhs_hint = false} : vector<8x128xf32>, vector<128x128xf32>, vector<8x128xf32> -> vector<8x128xf32>
    %dot_general3A_217 = arith.constant dense<0.000000e+00> : vector<8x128xf32>
    %dot_general3A_218 = tpu.matmul %add3A_214, %convert_element_type3A_4, %dot_general3A_217 {dimension_numbers = #tpu.dot_dimension_numbers<[1], [0], [0], [1], [0, 0, 1, 1], [], []>, transpose_lhs_hint = false} : vector<8x128xf32>, vector<128x128xf32>, vector<8x128xf32> -> vector<8x128xf32>
    %slice3A_219 = vector.extract_strided_slice %dot_general3A_216 {offsets = [0, 0], sizes = [8, 1], strides = [1, 1]} : vector<8x128xf32> to vector<8x1xf32>
    %slice3A_220 = vector.extract_strided_slice %dot_general3A_218 {offsets = [0, 0], sizes = [8, 1], strides = [1, 1]} : vector<8x128xf32> to vector<8x1xf32>
    %dot_general3A_221 = arith.constant dense<0.000000e+00> : vector<8x1xf32>
    %dot_general3A_222 = tpu.matmul %convert_element_type3A_8, %slice3A_219, %dot_general3A_221 {dimension_numbers = #tpu.dot_dimension_numbers<[1], [0], [0], [1], [0, 0, 1, 1], [], []>, transpose_lhs_hint = false} : vector<8x8xf32>, vector<8x1xf32>, vector<8x1xf32> -> vector<8x1xf32>
    %dot_general3A_223 = arith.constant dense<0.000000e+00> : vector<8x1xf32>
    %dot_general3A_224 = tpu.matmul %convert_element_type3A_8, %slice3A_220, %dot_general3A_223 {dimension_numbers = #tpu.dot_dimension_numbers<[1], [0], [0], [1], [0, 0, 1, 1], [], []>, transpose_lhs_hint = false} : vector<8x8xf32>, vector<8x1xf32>, vector<8x1xf32> -> vector<8x1xf32>
    %add3A_225 = vector.broadcast %dot_general3A_222 : vector<8x1xf32> to vector<8x128xf32>
    %add3A_226 = arith.addf %dot_general3A_216, %add3A_225 : vector<8x128xf32>
    %add3A_227 = vector.broadcast %dot_general3A_224 : vector<8x1xf32> to vector<8x128xf32>
    %add3A_228 = arith.addf %dot_general3A_218, %add3A_227 : vector<8x128xf32>
    %reduce_sum3A_229 = vector.shape_cast %slice3A_220 : vector<8x1xf32> to vector<1x8x1xf32>
    %reduce_sum3A_230 = arith.constant dense<0.000000e+00> : vector<1xf32>
    %reduce_sum3A_231 = vector.multi_reduction <add>, %reduce_sum3A_229, %reduce_sum3A_230 [1, 2] : vector<1x8x1xf32> to vector<1xf32>
    %reduce_sum3A_232 = vector.shape_cast %reduce_sum3A_231 : vector<1xf32> to vector<1x1x1xf32>
    %reduce_sum3A_233 = vector.extract %reduce_sum3A_232[0, 0, 0] : f32 from vector<1x1x1xf32>
    %add3A_234 = vector.broadcast %reduce_sum3A_233 : f32 to vector<8x128xf32>
    %add3A_235 = arith.addf %add3A_234, %add3A_226 : vector<8x128xf32>
    %sub3A_236 = arith.subf %add3A_235, %add3A_228 : vector<8x128xf32>
    %max3A_237 = arith.constant 1.000000e+00 : f32
    %max3A_238 = vector.broadcast %max3A_237 : f32 to vector<8x128xf32>
    %max3A_239 = arith.maximumf %sub3A_236, %max3A_238 : vector<8x128xf32>
    %gt3A_240 = arith.constant 0.000000e+00 : f32
    %gt3A_241 = vector.broadcast %gt3A_240 : f32 to vector<8x128xf32>
    %gt3A_242 = arith.cmpf ogt, %add3A_226, %gt3A_241 : vector<8x128xf32>
    %sub3A_243 = vector.broadcast %reduce_sum3A_233 : f32 to vector<8x128xf32>
    %sub3A_244 = arith.subf %sub3A_243, %add3A_228 : vector<8x128xf32>
    %div3A_245 = arith.divf %sub3A_244, %max3A_239 : vector<8x128xf32>
    %sub3A_246 = arith.constant 1.000000e+00 : f32
    %sub3A_247 = vector.broadcast %sub3A_246 : f32 to vector<8x128xf32>
    %sub3A_248 = arith.subf %sub3A_247, %div3A_245 : vector<8x128xf32>
    %jit3A_249 = arith.constant 0.000000e+00 : f32
    %broadcast_in_dim3A_250 = vector.broadcast %jit3A_249 : f32 to vector<8x128xf32>
    %select_n3A_251 = arith.select %gt3A_242, %sub3A_248, %broadcast_in_dim3A_250 : vector<8x128xi1>, vector<8x128xf32>
    %sub3A_252 = arith.subf %add3A_226, %add3A_212 : vector<8x128xf32>
    %sub3A_253 = arith.subf %add3A_228, %add3A_214 : vector<8x128xf32>
    %add3A_254 = vector.broadcast %reduce_sum3A_233 : f32 to vector<8x128xf32>
    %add3A_255 = arith.addf %add3A_254, %sub3A_252 : vector<8x128xf32>
    %sub3A_256 = arith.subf %add3A_255, %sub3A_253 : vector<8x128xf32>
    %max3A_257 = arith.constant 1.000000e+00 : f32
    %max3A_258 = vector.broadcast %max3A_257 : f32 to vector<8x128xf32>
    %max3A_259 = arith.maximumf %sub3A_256, %max3A_258 : vector<8x128xf32>
    %gt3A_260 = arith.constant 0.000000e+00 : f32
    %gt3A_261 = vector.broadcast %gt3A_260 : f32 to vector<8x128xf32>
    %gt3A_262 = arith.cmpf ogt, %sub3A_252, %gt3A_261 : vector<8x128xf32>
    %sub3A_263 = vector.broadcast %reduce_sum3A_233 : f32 to vector<8x128xf32>
    %sub3A_264 = arith.subf %sub3A_263, %sub3A_253 : vector<8x128xf32>
    %div3A_265 = arith.divf %sub3A_264, %max3A_259 : vector<8x128xf32>
    %sub3A_266 = arith.constant 1.000000e+00 : f32
    %sub3A_267 = vector.broadcast %sub3A_266 : f32 to vector<8x128xf32>
    %sub3A_268 = arith.subf %sub3A_267, %div3A_265 : vector<8x128xf32>
    %jit3A_269 = arith.constant 0.000000e+00 : f32
    %broadcast_in_dim3A_270 = vector.broadcast %jit3A_269 : f32 to vector<8x128xf32>
    %select_n3A_271 = arith.select %gt3A_262, %sub3A_268, %broadcast_in_dim3A_270 : vector<8x128xi1>, vector<8x128xf32>
    %sub3A_272 = arith.subf %select_n3A_251, %select_n3A_271 : vector<8x128xf32>
    %mul3A_273 = arith.mulf %div3A_29, %sub3A_272 : vector<8x128xf32>
    %reduce_sum3A_274 = vector.shape_cast %mul3A_273 : vector<8x128xf32> to vector<1x8x128xf32>
    %reduce_sum3A_275 = arith.constant dense<0.000000e+00> : vector<1xf32>
    %reduce_sum3A_276 = vector.multi_reduction <add>, %reduce_sum3A_274, %reduce_sum3A_275 [1, 2] : vector<1x8x128xf32> to vector<1xf32>
    %reduce_sum3A_277 = vector.shape_cast %reduce_sum3A_276 : vector<1xf32> to vector<1x1x1xf32>
    %reduce_sum3A_278 = vector.extract %reduce_sum3A_277[0, 0, 0] : f32 from vector<1x1x1xf32>
    %reshape3A_279 = vector.broadcast %reduce_sum3A_278 : f32 to vector<1x1xf32>
    %add3A_280 = arith.addf %add3A_194, %reshape3A_279 : vector<1x1xf32>
    %broadcast_in_dim3A_281 = arith.constant 0.000000e+00 : f32
    %broadcast_in_dim3A_282 = vector.broadcast %broadcast_in_dim3A_281 : f32 to vector<8x128xf32>
    %broadcast_in_dim3A_283 = arith.constant 0.000000e+00 : f32
    %broadcast_in_dim3A_284 = vector.broadcast %broadcast_in_dim3A_283 : f32 to vector<8x128xf32>
    %slice3A_285 = vector.extract_strided_slice %convert_element_type3A {offsets = [192, 0], sizes = [8, 128], strides = [1, 1]} : vector<512x128xf32> to vector<8x128xf32>
    %add3A_286 = arith.addf %broadcast_in_dim3A_282, %slice3A_285 : vector<8x128xf32>
    %slice3A_287 = vector.extract_strided_slice %convert_element_type3A {offsets = [200, 0], sizes = [8, 128], strides = [1, 1]} : vector<512x128xf32> to vector<8x128xf32>
    %add3A_288 = arith.addf %broadcast_in_dim3A_284, %slice3A_287 : vector<8x128xf32>
    %slice3A_289 = vector.extract_strided_slice %convert_element_type3A {offsets = [208, 0], sizes = [8, 128], strides = [1, 1]} : vector<512x128xf32> to vector<8x128xf32>
    %add3A_290 = arith.addf %add3A_286, %slice3A_289 : vector<8x128xf32>
    %slice3A_291 = vector.extract_strided_slice %convert_element_type3A {offsets = [216, 0], sizes = [8, 128], strides = [1, 1]} : vector<512x128xf32> to vector<8x128xf32>
    %add3A_292 = arith.addf %add3A_288, %slice3A_291 : vector<8x128xf32>
    %slice3A_293 = vector.extract_strided_slice %convert_element_type3A {offsets = [224, 0], sizes = [8, 128], strides = [1, 1]} : vector<512x128xf32> to vector<8x128xf32>
    %add3A_294 = arith.addf %add3A_290, %slice3A_293 : vector<8x128xf32>
    %slice3A_295 = vector.extract_strided_slice %convert_element_type3A {offsets = [232, 0], sizes = [8, 128], strides = [1, 1]} : vector<512x128xf32> to vector<8x128xf32>
    %add3A_296 = arith.addf %add3A_292, %slice3A_295 : vector<8x128xf32>
    %slice3A_297 = vector.extract_strided_slice %convert_element_type3A {offsets = [240, 0], sizes = [8, 128], strides = [1, 1]} : vector<512x128xf32> to vector<8x128xf32>
    %add3A_298 = arith.addf %add3A_294, %slice3A_297 : vector<8x128xf32>
    %slice3A_299 = vector.extract_strided_slice %convert_element_type3A {offsets = [248, 0], sizes = [8, 128], strides = [1, 1]} : vector<512x128xf32> to vector<8x128xf32>
    %add3A_300 = arith.addf %add3A_296, %slice3A_299 : vector<8x128xf32>
    %dot_general3A_301 = arith.constant dense<0.000000e+00> : vector<8x128xf32>
    %dot_general3A_302 = tpu.matmul %add3A_298, %convert_element_type3A_4, %dot_general3A_301 {dimension_numbers = #tpu.dot_dimension_numbers<[1], [0], [0], [1], [0, 0, 1, 1], [], []>, transpose_lhs_hint = false} : vector<8x128xf32>, vector<128x128xf32>, vector<8x128xf32> -> vector<8x128xf32>
    %dot_general3A_303 = arith.constant dense<0.000000e+00> : vector<8x128xf32>
    %dot_general3A_304 = tpu.matmul %add3A_300, %convert_element_type3A_4, %dot_general3A_303 {dimension_numbers = #tpu.dot_dimension_numbers<[1], [0], [0], [1], [0, 0, 1, 1], [], []>, transpose_lhs_hint = false} : vector<8x128xf32>, vector<128x128xf32>, vector<8x128xf32> -> vector<8x128xf32>
    %slice3A_305 = vector.extract_strided_slice %dot_general3A_302 {offsets = [0, 0], sizes = [8, 1], strides = [1, 1]} : vector<8x128xf32> to vector<8x1xf32>
    %slice3A_306 = vector.extract_strided_slice %dot_general3A_304 {offsets = [0, 0], sizes = [8, 1], strides = [1, 1]} : vector<8x128xf32> to vector<8x1xf32>
    %dot_general3A_307 = arith.constant dense<0.000000e+00> : vector<8x1xf32>
    %dot_general3A_308 = tpu.matmul %convert_element_type3A_8, %slice3A_305, %dot_general3A_307 {dimension_numbers = #tpu.dot_dimension_numbers<[1], [0], [0], [1], [0, 0, 1, 1], [], []>, transpose_lhs_hint = false} : vector<8x8xf32>, vector<8x1xf32>, vector<8x1xf32> -> vector<8x1xf32>
    %dot_general3A_309 = arith.constant dense<0.000000e+00> : vector<8x1xf32>
    %dot_general3A_310 = tpu.matmul %convert_element_type3A_8, %slice3A_306, %dot_general3A_309 {dimension_numbers = #tpu.dot_dimension_numbers<[1], [0], [0], [1], [0, 0, 1, 1], [], []>, transpose_lhs_hint = false} : vector<8x8xf32>, vector<8x1xf32>, vector<8x1xf32> -> vector<8x1xf32>
    %add3A_311 = vector.broadcast %dot_general3A_308 : vector<8x1xf32> to vector<8x128xf32>
    %add3A_312 = arith.addf %dot_general3A_302, %add3A_311 : vector<8x128xf32>
    %add3A_313 = vector.broadcast %dot_general3A_310 : vector<8x1xf32> to vector<8x128xf32>
    %add3A_314 = arith.addf %dot_general3A_304, %add3A_313 : vector<8x128xf32>
    %reduce_sum3A_315 = vector.shape_cast %slice3A_306 : vector<8x1xf32> to vector<1x8x1xf32>
    %reduce_sum3A_316 = arith.constant dense<0.000000e+00> : vector<1xf32>
    %reduce_sum3A_317 = vector.multi_reduction <add>, %reduce_sum3A_315, %reduce_sum3A_316 [1, 2] : vector<1x8x1xf32> to vector<1xf32>
    %reduce_sum3A_318 = vector.shape_cast %reduce_sum3A_317 : vector<1xf32> to vector<1x1x1xf32>
    %reduce_sum3A_319 = vector.extract %reduce_sum3A_318[0, 0, 0] : f32 from vector<1x1x1xf32>
    %add3A_320 = vector.broadcast %reduce_sum3A_319 : f32 to vector<8x128xf32>
    %add3A_321 = arith.addf %add3A_320, %add3A_312 : vector<8x128xf32>
    %sub3A_322 = arith.subf %add3A_321, %add3A_314 : vector<8x128xf32>
    %max3A_323 = arith.constant 1.000000e+00 : f32
    %max3A_324 = vector.broadcast %max3A_323 : f32 to vector<8x128xf32>
    %max3A_325 = arith.maximumf %sub3A_322, %max3A_324 : vector<8x128xf32>
    %gt3A_326 = arith.constant 0.000000e+00 : f32
    %gt3A_327 = vector.broadcast %gt3A_326 : f32 to vector<8x128xf32>
    %gt3A_328 = arith.cmpf ogt, %add3A_312, %gt3A_327 : vector<8x128xf32>
    %sub3A_329 = vector.broadcast %reduce_sum3A_319 : f32 to vector<8x128xf32>
    %sub3A_330 = arith.subf %sub3A_329, %add3A_314 : vector<8x128xf32>
    %div3A_331 = arith.divf %sub3A_330, %max3A_325 : vector<8x128xf32>
    %sub3A_332 = arith.constant 1.000000e+00 : f32
    %sub3A_333 = vector.broadcast %sub3A_332 : f32 to vector<8x128xf32>
    %sub3A_334 = arith.subf %sub3A_333, %div3A_331 : vector<8x128xf32>
    %jit3A_335 = arith.constant 0.000000e+00 : f32
    %broadcast_in_dim3A_336 = vector.broadcast %jit3A_335 : f32 to vector<8x128xf32>
    %select_n3A_337 = arith.select %gt3A_328, %sub3A_334, %broadcast_in_dim3A_336 : vector<8x128xi1>, vector<8x128xf32>
    %sub3A_338 = arith.subf %add3A_312, %add3A_298 : vector<8x128xf32>
    %sub3A_339 = arith.subf %add3A_314, %add3A_300 : vector<8x128xf32>
    %add3A_340 = vector.broadcast %reduce_sum3A_319 : f32 to vector<8x128xf32>
    %add3A_341 = arith.addf %add3A_340, %sub3A_338 : vector<8x128xf32>
    %sub3A_342 = arith.subf %add3A_341, %sub3A_339 : vector<8x128xf32>
    %max3A_343 = arith.constant 1.000000e+00 : f32
    %max3A_344 = vector.broadcast %max3A_343 : f32 to vector<8x128xf32>
    %max3A_345 = arith.maximumf %sub3A_342, %max3A_344 : vector<8x128xf32>
    %gt3A_346 = arith.constant 0.000000e+00 : f32
    %gt3A_347 = vector.broadcast %gt3A_346 : f32 to vector<8x128xf32>
    %gt3A_348 = arith.cmpf ogt, %sub3A_338, %gt3A_347 : vector<8x128xf32>
    %sub3A_349 = vector.broadcast %reduce_sum3A_319 : f32 to vector<8x128xf32>
    %sub3A_350 = arith.subf %sub3A_349, %sub3A_339 : vector<8x128xf32>
    %div3A_351 = arith.divf %sub3A_350, %max3A_345 : vector<8x128xf32>
    %sub3A_352 = arith.constant 1.000000e+00 : f32
    %sub3A_353 = vector.broadcast %sub3A_352 : f32 to vector<8x128xf32>
    %sub3A_354 = arith.subf %sub3A_353, %div3A_351 : vector<8x128xf32>
    %jit3A_355 = arith.constant 0.000000e+00 : f32
    %broadcast_in_dim3A_356 = vector.broadcast %jit3A_355 : f32 to vector<8x128xf32>
    %select_n3A_357 = arith.select %gt3A_348, %sub3A_354, %broadcast_in_dim3A_356 : vector<8x128xi1>, vector<8x128xf32>
    %sub3A_358 = arith.subf %select_n3A_337, %select_n3A_357 : vector<8x128xf32>
    %mul3A_359 = arith.mulf %div3A_29, %sub3A_358 : vector<8x128xf32>
    %reduce_sum3A_360 = vector.shape_cast %mul3A_359 : vector<8x128xf32> to vector<1x8x128xf32>
    %reduce_sum3A_361 = arith.constant dense<0.000000e+00> : vector<1xf32>
    %reduce_sum3A_362 = vector.multi_reduction <add>, %reduce_sum3A_360, %reduce_sum3A_361 [1, 2] : vector<1x8x128xf32> to vector<1xf32>
    %reduce_sum3A_363 = vector.shape_cast %reduce_sum3A_362 : vector<1xf32> to vector<1x1x1xf32>
    %reduce_sum3A_364 = vector.extract %reduce_sum3A_363[0, 0, 0] : f32 from vector<1x1x1xf32>
    %reshape3A_365 = vector.broadcast %reduce_sum3A_364 : f32 to vector<1x1xf32>
    %add3A_366 = arith.addf %add3A_280, %reshape3A_365 : vector<1x1xf32>
    %broadcast_in_dim3A_367 = arith.constant 0.000000e+00 : f32
    %broadcast_in_dim3A_368 = vector.broadcast %broadcast_in_dim3A_367 : f32 to vector<8x128xf32>
    %broadcast_in_dim3A_369 = arith.constant 0.000000e+00 : f32
    %broadcast_in_dim3A_370 = vector.broadcast %broadcast_in_dim3A_369 : f32 to vector<8x128xf32>
    %slice3A_371 = vector.extract_strided_slice %convert_element_type3A {offsets = [256, 0], sizes = [8, 128], strides = [1, 1]} : vector<512x128xf32> to vector<8x128xf32>
    %add3A_372 = arith.addf %broadcast_in_dim3A_368, %slice3A_371 : vector<8x128xf32>
    %slice3A_373 = vector.extract_strided_slice %convert_element_type3A {offsets = [264, 0], sizes = [8, 128], strides = [1, 1]} : vector<512x128xf32> to vector<8x128xf32>
    %add3A_374 = arith.addf %broadcast_in_dim3A_370, %slice3A_373 : vector<8x128xf32>
    %slice3A_375 = vector.extract_strided_slice %convert_element_type3A {offsets = [272, 0], sizes = [8, 128], strides = [1, 1]} : vector<512x128xf32> to vector<8x128xf32>
    %add3A_376 = arith.addf %add3A_372, %slice3A_375 : vector<8x128xf32>
    %slice3A_377 = vector.extract_strided_slice %convert_element_type3A {offsets = [280, 0], sizes = [8, 128], strides = [1, 1]} : vector<512x128xf32> to vector<8x128xf32>
    %add3A_378 = arith.addf %add3A_374, %slice3A_377 : vector<8x128xf32>
    %slice3A_379 = vector.extract_strided_slice %convert_element_type3A {offsets = [288, 0], sizes = [8, 128], strides = [1, 1]} : vector<512x128xf32> to vector<8x128xf32>
    %add3A_380 = arith.addf %add3A_376, %slice3A_379 : vector<8x128xf32>
    %slice3A_381 = vector.extract_strided_slice %convert_element_type3A {offsets = [296, 0], sizes = [8, 128], strides = [1, 1]} : vector<512x128xf32> to vector<8x128xf32>
    %add3A_382 = arith.addf %add3A_378, %slice3A_381 : vector<8x128xf32>
    %slice3A_383 = vector.extract_strided_slice %convert_element_type3A {offsets = [304, 0], sizes = [8, 128], strides = [1, 1]} : vector<512x128xf32> to vector<8x128xf32>
    %add3A_384 = arith.addf %add3A_380, %slice3A_383 : vector<8x128xf32>
    %slice3A_385 = vector.extract_strided_slice %convert_element_type3A {offsets = [312, 0], sizes = [8, 128], strides = [1, 1]} : vector<512x128xf32> to vector<8x128xf32>
    %add3A_386 = arith.addf %add3A_382, %slice3A_385 : vector<8x128xf32>
    %dot_general3A_387 = arith.constant dense<0.000000e+00> : vector<8x128xf32>
    %dot_general3A_388 = tpu.matmul %add3A_384, %convert_element_type3A_4, %dot_general3A_387 {dimension_numbers = #tpu.dot_dimension_numbers<[1], [0], [0], [1], [0, 0, 1, 1], [], []>, transpose_lhs_hint = false} : vector<8x128xf32>, vector<128x128xf32>, vector<8x128xf32> -> vector<8x128xf32>
    %dot_general3A_389 = arith.constant dense<0.000000e+00> : vector<8x128xf32>
    %dot_general3A_390 = tpu.matmul %add3A_386, %convert_element_type3A_4, %dot_general3A_389 {dimension_numbers = #tpu.dot_dimension_numbers<[1], [0], [0], [1], [0, 0, 1, 1], [], []>, transpose_lhs_hint = false} : vector<8x128xf32>, vector<128x128xf32>, vector<8x128xf32> -> vector<8x128xf32>
    %slice3A_391 = vector.extract_strided_slice %dot_general3A_388 {offsets = [0, 0], sizes = [8, 1], strides = [1, 1]} : vector<8x128xf32> to vector<8x1xf32>
    %slice3A_392 = vector.extract_strided_slice %dot_general3A_390 {offsets = [0, 0], sizes = [8, 1], strides = [1, 1]} : vector<8x128xf32> to vector<8x1xf32>
    %dot_general3A_393 = arith.constant dense<0.000000e+00> : vector<8x1xf32>
    %dot_general3A_394 = tpu.matmul %convert_element_type3A_8, %slice3A_391, %dot_general3A_393 {dimension_numbers = #tpu.dot_dimension_numbers<[1], [0], [0], [1], [0, 0, 1, 1], [], []>, transpose_lhs_hint = false} : vector<8x8xf32>, vector<8x1xf32>, vector<8x1xf32> -> vector<8x1xf32>
    %dot_general3A_395 = arith.constant dense<0.000000e+00> : vector<8x1xf32>
    %dot_general3A_396 = tpu.matmul %convert_element_type3A_8, %slice3A_392, %dot_general3A_395 {dimension_numbers = #tpu.dot_dimension_numbers<[1], [0], [0], [1], [0, 0, 1, 1], [], []>, transpose_lhs_hint = false} : vector<8x8xf32>, vector<8x1xf32>, vector<8x1xf32> -> vector<8x1xf32>
    %add3A_397 = vector.broadcast %dot_general3A_394 : vector<8x1xf32> to vector<8x128xf32>
    %add3A_398 = arith.addf %dot_general3A_388, %add3A_397 : vector<8x128xf32>
    %add3A_399 = vector.broadcast %dot_general3A_396 : vector<8x1xf32> to vector<8x128xf32>
    %add3A_400 = arith.addf %dot_general3A_390, %add3A_399 : vector<8x128xf32>
    %reduce_sum3A_401 = vector.shape_cast %slice3A_392 : vector<8x1xf32> to vector<1x8x1xf32>
    %reduce_sum3A_402 = arith.constant dense<0.000000e+00> : vector<1xf32>
    %reduce_sum3A_403 = vector.multi_reduction <add>, %reduce_sum3A_401, %reduce_sum3A_402 [1, 2] : vector<1x8x1xf32> to vector<1xf32>
    %reduce_sum3A_404 = vector.shape_cast %reduce_sum3A_403 : vector<1xf32> to vector<1x1x1xf32>
    %reduce_sum3A_405 = vector.extract %reduce_sum3A_404[0, 0, 0] : f32 from vector<1x1x1xf32>
    %add3A_406 = vector.broadcast %reduce_sum3A_405 : f32 to vector<8x128xf32>
    %add3A_407 = arith.addf %add3A_406, %add3A_398 : vector<8x128xf32>
    %sub3A_408 = arith.subf %add3A_407, %add3A_400 : vector<8x128xf32>
    %max3A_409 = arith.constant 1.000000e+00 : f32
    %max3A_410 = vector.broadcast %max3A_409 : f32 to vector<8x128xf32>
    %max3A_411 = arith.maximumf %sub3A_408, %max3A_410 : vector<8x128xf32>
    %gt3A_412 = arith.constant 0.000000e+00 : f32
    %gt3A_413 = vector.broadcast %gt3A_412 : f32 to vector<8x128xf32>
    %gt3A_414 = arith.cmpf ogt, %add3A_398, %gt3A_413 : vector<8x128xf32>
    %sub3A_415 = vector.broadcast %reduce_sum3A_405 : f32 to vector<8x128xf32>
    %sub3A_416 = arith.subf %sub3A_415, %add3A_400 : vector<8x128xf32>
    %div3A_417 = arith.divf %sub3A_416, %max3A_411 : vector<8x128xf32>
    %sub3A_418 = arith.constant 1.000000e+00 : f32
    %sub3A_419 = vector.broadcast %sub3A_418 : f32 to vector<8x128xf32>
    %sub3A_420 = arith.subf %sub3A_419, %div3A_417 : vector<8x128xf32>
    %jit3A_421 = arith.constant 0.000000e+00 : f32
    %broadcast_in_dim3A_422 = vector.broadcast %jit3A_421 : f32 to vector<8x128xf32>
    %select_n3A_423 = arith.select %gt3A_414, %sub3A_420, %broadcast_in_dim3A_422 : vector<8x128xi1>, vector<8x128xf32>
    %sub3A_424 = arith.subf %add3A_398, %add3A_384 : vector<8x128xf32>
    %sub3A_425 = arith.subf %add3A_400, %add3A_386 : vector<8x128xf32>
    %add3A_426 = vector.broadcast %reduce_sum3A_405 : f32 to vector<8x128xf32>
    %add3A_427 = arith.addf %add3A_426, %sub3A_424 : vector<8x128xf32>
    %sub3A_428 = arith.subf %add3A_427, %sub3A_425 : vector<8x128xf32>
    %max3A_429 = arith.constant 1.000000e+00 : f32
    %max3A_430 = vector.broadcast %max3A_429 : f32 to vector<8x128xf32>
    %max3A_431 = arith.maximumf %sub3A_428, %max3A_430 : vector<8x128xf32>
    %gt3A_432 = arith.constant 0.000000e+00 : f32
    %gt3A_433 = vector.broadcast %gt3A_432 : f32 to vector<8x128xf32>
    %gt3A_434 = arith.cmpf ogt, %sub3A_424, %gt3A_433 : vector<8x128xf32>
    %sub3A_435 = vector.broadcast %reduce_sum3A_405 : f32 to vector<8x128xf32>
    %sub3A_436 = arith.subf %sub3A_435, %sub3A_425 : vector<8x128xf32>
    %div3A_437 = arith.divf %sub3A_436, %max3A_431 : vector<8x128xf32>
    %sub3A_438 = arith.constant 1.000000e+00 : f32
    %sub3A_439 = vector.broadcast %sub3A_438 : f32 to vector<8x128xf32>
    %sub3A_440 = arith.subf %sub3A_439, %div3A_437 : vector<8x128xf32>
    %jit3A_441 = arith.constant 0.000000e+00 : f32
    %broadcast_in_dim3A_442 = vector.broadcast %jit3A_441 : f32 to vector<8x128xf32>
    %select_n3A_443 = arith.select %gt3A_434, %sub3A_440, %broadcast_in_dim3A_442 : vector<8x128xi1>, vector<8x128xf32>
    %sub3A_444 = arith.subf %select_n3A_423, %select_n3A_443 : vector<8x128xf32>
    %mul3A_445 = arith.mulf %div3A_29, %sub3A_444 : vector<8x128xf32>
    %reduce_sum3A_446 = vector.shape_cast %mul3A_445 : vector<8x128xf32> to vector<1x8x128xf32>
    %reduce_sum3A_447 = arith.constant dense<0.000000e+00> : vector<1xf32>
    %reduce_sum3A_448 = vector.multi_reduction <add>, %reduce_sum3A_446, %reduce_sum3A_447 [1, 2] : vector<1x8x128xf32> to vector<1xf32>
    %reduce_sum3A_449 = vector.shape_cast %reduce_sum3A_448 : vector<1xf32> to vector<1x1x1xf32>
    %reduce_sum3A_450 = vector.extract %reduce_sum3A_449[0, 0, 0] : f32 from vector<1x1x1xf32>
    %reshape3A_451 = vector.broadcast %reduce_sum3A_450 : f32 to vector<1x1xf32>
    %add3A_452 = arith.addf %add3A_366, %reshape3A_451 : vector<1x1xf32>
    %broadcast_in_dim3A_453 = arith.constant 0.000000e+00 : f32
    %broadcast_in_dim3A_454 = vector.broadcast %broadcast_in_dim3A_453 : f32 to vector<8x128xf32>
    %broadcast_in_dim3A_455 = arith.constant 0.000000e+00 : f32
    %broadcast_in_dim3A_456 = vector.broadcast %broadcast_in_dim3A_455 : f32 to vector<8x128xf32>
    %slice3A_457 = vector.extract_strided_slice %convert_element_type3A {offsets = [320, 0], sizes = [8, 128], strides = [1, 1]} : vector<512x128xf32> to vector<8x128xf32>
    %add3A_458 = arith.addf %broadcast_in_dim3A_454, %slice3A_457 : vector<8x128xf32>
    %slice3A_459 = vector.extract_strided_slice %convert_element_type3A {offsets = [328, 0], sizes = [8, 128], strides = [1, 1]} : vector<512x128xf32> to vector<8x128xf32>
    %add3A_460 = arith.addf %broadcast_in_dim3A_456, %slice3A_459 : vector<8x128xf32>
    %slice3A_461 = vector.extract_strided_slice %convert_element_type3A {offsets = [336, 0], sizes = [8, 128], strides = [1, 1]} : vector<512x128xf32> to vector<8x128xf32>
    %add3A_462 = arith.addf %add3A_458, %slice3A_461 : vector<8x128xf32>
    %slice3A_463 = vector.extract_strided_slice %convert_element_type3A {offsets = [344, 0], sizes = [8, 128], strides = [1, 1]} : vector<512x128xf32> to vector<8x128xf32>
    %add3A_464 = arith.addf %add3A_460, %slice3A_463 : vector<8x128xf32>
    %slice3A_465 = vector.extract_strided_slice %convert_element_type3A {offsets = [352, 0], sizes = [8, 128], strides = [1, 1]} : vector<512x128xf32> to vector<8x128xf32>
    %add3A_466 = arith.addf %add3A_462, %slice3A_465 : vector<8x128xf32>
    %slice3A_467 = vector.extract_strided_slice %convert_element_type3A {offsets = [360, 0], sizes = [8, 128], strides = [1, 1]} : vector<512x128xf32> to vector<8x128xf32>
    %add3A_468 = arith.addf %add3A_464, %slice3A_467 : vector<8x128xf32>
    %slice3A_469 = vector.extract_strided_slice %convert_element_type3A {offsets = [368, 0], sizes = [8, 128], strides = [1, 1]} : vector<512x128xf32> to vector<8x128xf32>
    %add3A_470 = arith.addf %add3A_466, %slice3A_469 : vector<8x128xf32>
    %slice3A_471 = vector.extract_strided_slice %convert_element_type3A {offsets = [376, 0], sizes = [8, 128], strides = [1, 1]} : vector<512x128xf32> to vector<8x128xf32>
    %add3A_472 = arith.addf %add3A_468, %slice3A_471 : vector<8x128xf32>
    %dot_general3A_473 = arith.constant dense<0.000000e+00> : vector<8x128xf32>
    %dot_general3A_474 = tpu.matmul %add3A_470, %convert_element_type3A_4, %dot_general3A_473 {dimension_numbers = #tpu.dot_dimension_numbers<[1], [0], [0], [1], [0, 0, 1, 1], [], []>, transpose_lhs_hint = false} : vector<8x128xf32>, vector<128x128xf32>, vector<8x128xf32> -> vector<8x128xf32>
    %dot_general3A_475 = arith.constant dense<0.000000e+00> : vector<8x128xf32>
    %dot_general3A_476 = tpu.matmul %add3A_472, %convert_element_type3A_4, %dot_general3A_475 {dimension_numbers = #tpu.dot_dimension_numbers<[1], [0], [0], [1], [0, 0, 1, 1], [], []>, transpose_lhs_hint = false} : vector<8x128xf32>, vector<128x128xf32>, vector<8x128xf32> -> vector<8x128xf32>
    %slice3A_477 = vector.extract_strided_slice %dot_general3A_474 {offsets = [0, 0], sizes = [8, 1], strides = [1, 1]} : vector<8x128xf32> to vector<8x1xf32>
    %slice3A_478 = vector.extract_strided_slice %dot_general3A_476 {offsets = [0, 0], sizes = [8, 1], strides = [1, 1]} : vector<8x128xf32> to vector<8x1xf32>
    %dot_general3A_479 = arith.constant dense<0.000000e+00> : vector<8x1xf32>
    %dot_general3A_480 = tpu.matmul %convert_element_type3A_8, %slice3A_477, %dot_general3A_479 {dimension_numbers = #tpu.dot_dimension_numbers<[1], [0], [0], [1], [0, 0, 1, 1], [], []>, transpose_lhs_hint = false} : vector<8x8xf32>, vector<8x1xf32>, vector<8x1xf32> -> vector<8x1xf32>
    %dot_general3A_481 = arith.constant dense<0.000000e+00> : vector<8x1xf32>
    %dot_general3A_482 = tpu.matmul %convert_element_type3A_8, %slice3A_478, %dot_general3A_481 {dimension_numbers = #tpu.dot_dimension_numbers<[1], [0], [0], [1], [0, 0, 1, 1], [], []>, transpose_lhs_hint = false} : vector<8x8xf32>, vector<8x1xf32>, vector<8x1xf32> -> vector<8x1xf32>
    %add3A_483 = vector.broadcast %dot_general3A_480 : vector<8x1xf32> to vector<8x128xf32>
    %add3A_484 = arith.addf %dot_general3A_474, %add3A_483 : vector<8x128xf32>
    %add3A_485 = vector.broadcast %dot_general3A_482 : vector<8x1xf32> to vector<8x128xf32>
    %add3A_486 = arith.addf %dot_general3A_476, %add3A_485 : vector<8x128xf32>
    %reduce_sum3A_487 = vector.shape_cast %slice3A_478 : vector<8x1xf32> to vector<1x8x1xf32>
    %reduce_sum3A_488 = arith.constant dense<0.000000e+00> : vector<1xf32>
    %reduce_sum3A_489 = vector.multi_reduction <add>, %reduce_sum3A_487, %reduce_sum3A_488 [1, 2] : vector<1x8x1xf32> to vector<1xf32>
    %reduce_sum3A_490 = vector.shape_cast %reduce_sum3A_489 : vector<1xf32> to vector<1x1x1xf32>
    %reduce_sum3A_491 = vector.extract %reduce_sum3A_490[0, 0, 0] : f32 from vector<1x1x1xf32>
    %add3A_492 = vector.broadcast %reduce_sum3A_491 : f32 to vector<8x128xf32>
    %add3A_493 = arith.addf %add3A_492, %add3A_484 : vector<8x128xf32>
    %sub3A_494 = arith.subf %add3A_493, %add3A_486 : vector<8x128xf32>
    %max3A_495 = arith.constant 1.000000e+00 : f32
    %max3A_496 = vector.broadcast %max3A_495 : f32 to vector<8x128xf32>
    %max3A_497 = arith.maximumf %sub3A_494, %max3A_496 : vector<8x128xf32>
    %gt3A_498 = arith.constant 0.000000e+00 : f32
    %gt3A_499 = vector.broadcast %gt3A_498 : f32 to vector<8x128xf32>
    %gt3A_500 = arith.cmpf ogt, %add3A_484, %gt3A_499 : vector<8x128xf32>
    %sub3A_501 = vector.broadcast %reduce_sum3A_491 : f32 to vector<8x128xf32>
    %sub3A_502 = arith.subf %sub3A_501, %add3A_486 : vector<8x128xf32>
    %div3A_503 = arith.divf %sub3A_502, %max3A_497 : vector<8x128xf32>
    %sub3A_504 = arith.constant 1.000000e+00 : f32
    %sub3A_505 = vector.broadcast %sub3A_504 : f32 to vector<8x128xf32>
    %sub3A_506 = arith.subf %sub3A_505, %div3A_503 : vector<8x128xf32>
    %jit3A_507 = arith.constant 0.000000e+00 : f32
    %broadcast_in_dim3A_508 = vector.broadcast %jit3A_507 : f32 to vector<8x128xf32>
    %select_n3A_509 = arith.select %gt3A_500, %sub3A_506, %broadcast_in_dim3A_508 : vector<8x128xi1>, vector<8x128xf32>
    %sub3A_510 = arith.subf %add3A_484, %add3A_470 : vector<8x128xf32>
    %sub3A_511 = arith.subf %add3A_486, %add3A_472 : vector<8x128xf32>
    %add3A_512 = vector.broadcast %reduce_sum3A_491 : f32 to vector<8x128xf32>
    %add3A_513 = arith.addf %add3A_512, %sub3A_510 : vector<8x128xf32>
    %sub3A_514 = arith.subf %add3A_513, %sub3A_511 : vector<8x128xf32>
    %max3A_515 = arith.constant 1.000000e+00 : f32
    %max3A_516 = vector.broadcast %max3A_515 : f32 to vector<8x128xf32>
    %max3A_517 = arith.maximumf %sub3A_514, %max3A_516 : vector<8x128xf32>
    %gt3A_518 = arith.constant 0.000000e+00 : f32
    %gt3A_519 = vector.broadcast %gt3A_518 : f32 to vector<8x128xf32>
    %gt3A_520 = arith.cmpf ogt, %sub3A_510, %gt3A_519 : vector<8x128xf32>
    %sub3A_521 = vector.broadcast %reduce_sum3A_491 : f32 to vector<8x128xf32>
    %sub3A_522 = arith.subf %sub3A_521, %sub3A_511 : vector<8x128xf32>
    %div3A_523 = arith.divf %sub3A_522, %max3A_517 : vector<8x128xf32>
    %sub3A_524 = arith.constant 1.000000e+00 : f32
    %sub3A_525 = vector.broadcast %sub3A_524 : f32 to vector<8x128xf32>
    %sub3A_526 = arith.subf %sub3A_525, %div3A_523 : vector<8x128xf32>
    %jit3A_527 = arith.constant 0.000000e+00 : f32
    %broadcast_in_dim3A_528 = vector.broadcast %jit3A_527 : f32 to vector<8x128xf32>
    %select_n3A_529 = arith.select %gt3A_520, %sub3A_526, %broadcast_in_dim3A_528 : vector<8x128xi1>, vector<8x128xf32>
    %sub3A_530 = arith.subf %select_n3A_509, %select_n3A_529 : vector<8x128xf32>
    %mul3A_531 = arith.mulf %div3A_29, %sub3A_530 : vector<8x128xf32>
    %reduce_sum3A_532 = vector.shape_cast %mul3A_531 : vector<8x128xf32> to vector<1x8x128xf32>
    %reduce_sum3A_533 = arith.constant dense<0.000000e+00> : vector<1xf32>
    %reduce_sum3A_534 = vector.multi_reduction <add>, %reduce_sum3A_532, %reduce_sum3A_533 [1, 2] : vector<1x8x128xf32> to vector<1xf32>
    %reduce_sum3A_535 = vector.shape_cast %reduce_sum3A_534 : vector<1xf32> to vector<1x1x1xf32>
    %reduce_sum3A_536 = vector.extract %reduce_sum3A_535[0, 0, 0] : f32 from vector<1x1x1xf32>
    %reshape3A_537 = vector.broadcast %reduce_sum3A_536 : f32 to vector<1x1xf32>
    %add3A_538 = arith.addf %add3A_452, %reshape3A_537 : vector<1x1xf32>
    %broadcast_in_dim3A_539 = arith.constant 0.000000e+00 : f32
    %broadcast_in_dim3A_540 = vector.broadcast %broadcast_in_dim3A_539 : f32 to vector<8x128xf32>
    %broadcast_in_dim3A_541 = arith.constant 0.000000e+00 : f32
    %broadcast_in_dim3A_542 = vector.broadcast %broadcast_in_dim3A_541 : f32 to vector<8x128xf32>
    %slice3A_543 = vector.extract_strided_slice %convert_element_type3A {offsets = [384, 0], sizes = [8, 128], strides = [1, 1]} : vector<512x128xf32> to vector<8x128xf32>
    %add3A_544 = arith.addf %broadcast_in_dim3A_540, %slice3A_543 : vector<8x128xf32>
    %slice3A_545 = vector.extract_strided_slice %convert_element_type3A {offsets = [392, 0], sizes = [8, 128], strides = [1, 1]} : vector<512x128xf32> to vector<8x128xf32>
    %add3A_546 = arith.addf %broadcast_in_dim3A_542, %slice3A_545 : vector<8x128xf32>
    %slice3A_547 = vector.extract_strided_slice %convert_element_type3A {offsets = [400, 0], sizes = [8, 128], strides = [1, 1]} : vector<512x128xf32> to vector<8x128xf32>
    %add3A_548 = arith.addf %add3A_544, %slice3A_547 : vector<8x128xf32>
    %slice3A_549 = vector.extract_strided_slice %convert_element_type3A {offsets = [408, 0], sizes = [8, 128], strides = [1, 1]} : vector<512x128xf32> to vector<8x128xf32>
    %add3A_550 = arith.addf %add3A_546, %slice3A_549 : vector<8x128xf32>
    %slice3A_551 = vector.extract_strided_slice %convert_element_type3A {offsets = [416, 0], sizes = [8, 128], strides = [1, 1]} : vector<512x128xf32> to vector<8x128xf32>
    %add3A_552 = arith.addf %add3A_548, %slice3A_551 : vector<8x128xf32>
    %slice3A_553 = vector.extract_strided_slice %convert_element_type3A {offsets = [424, 0], sizes = [8, 128], strides = [1, 1]} : vector<512x128xf32> to vector<8x128xf32>
    %add3A_554 = arith.addf %add3A_550, %slice3A_553 : vector<8x128xf32>
    %slice3A_555 = vector.extract_strided_slice %convert_element_type3A {offsets = [432, 0], sizes = [8, 128], strides = [1, 1]} : vector<512x128xf32> to vector<8x128xf32>
    %add3A_556 = arith.addf %add3A_552, %slice3A_555 : vector<8x128xf32>
    %slice3A_557 = vector.extract_strided_slice %convert_element_type3A {offsets = [440, 0], sizes = [8, 128], strides = [1, 1]} : vector<512x128xf32> to vector<8x128xf32>
    %add3A_558 = arith.addf %add3A_554, %slice3A_557 : vector<8x128xf32>
    %dot_general3A_559 = arith.constant dense<0.000000e+00> : vector<8x128xf32>
    %dot_general3A_560 = tpu.matmul %add3A_556, %convert_element_type3A_4, %dot_general3A_559 {dimension_numbers = #tpu.dot_dimension_numbers<[1], [0], [0], [1], [0, 0, 1, 1], [], []>, transpose_lhs_hint = false} : vector<8x128xf32>, vector<128x128xf32>, vector<8x128xf32> -> vector<8x128xf32>
    %dot_general3A_561 = arith.constant dense<0.000000e+00> : vector<8x128xf32>
    %dot_general3A_562 = tpu.matmul %add3A_558, %convert_element_type3A_4, %dot_general3A_561 {dimension_numbers = #tpu.dot_dimension_numbers<[1], [0], [0], [1], [0, 0, 1, 1], [], []>, transpose_lhs_hint = false} : vector<8x128xf32>, vector<128x128xf32>, vector<8x128xf32> -> vector<8x128xf32>
    %slice3A_563 = vector.extract_strided_slice %dot_general3A_560 {offsets = [0, 0], sizes = [8, 1], strides = [1, 1]} : vector<8x128xf32> to vector<8x1xf32>
    %slice3A_564 = vector.extract_strided_slice %dot_general3A_562 {offsets = [0, 0], sizes = [8, 1], strides = [1, 1]} : vector<8x128xf32> to vector<8x1xf32>
    %dot_general3A_565 = arith.constant dense<0.000000e+00> : vector<8x1xf32>
    %dot_general3A_566 = tpu.matmul %convert_element_type3A_8, %slice3A_563, %dot_general3A_565 {dimension_numbers = #tpu.dot_dimension_numbers<[1], [0], [0], [1], [0, 0, 1, 1], [], []>, transpose_lhs_hint = false} : vector<8x8xf32>, vector<8x1xf32>, vector<8x1xf32> -> vector<8x1xf32>
    %dot_general3A_567 = arith.constant dense<0.000000e+00> : vector<8x1xf32>
    %dot_general3A_568 = tpu.matmul %convert_element_type3A_8, %slice3A_564, %dot_general3A_567 {dimension_numbers = #tpu.dot_dimension_numbers<[1], [0], [0], [1], [0, 0, 1, 1], [], []>, transpose_lhs_hint = false} : vector<8x8xf32>, vector<8x1xf32>, vector<8x1xf32> -> vector<8x1xf32>
    %add3A_569 = vector.broadcast %dot_general3A_566 : vector<8x1xf32> to vector<8x128xf32>
    %add3A_570 = arith.addf %dot_general3A_560, %add3A_569 : vector<8x128xf32>
    %add3A_571 = vector.broadcast %dot_general3A_568 : vector<8x1xf32> to vector<8x128xf32>
    %add3A_572 = arith.addf %dot_general3A_562, %add3A_571 : vector<8x128xf32>
    %reduce_sum3A_573 = vector.shape_cast %slice3A_564 : vector<8x1xf32> to vector<1x8x1xf32>
    %reduce_sum3A_574 = arith.constant dense<0.000000e+00> : vector<1xf32>
    %reduce_sum3A_575 = vector.multi_reduction <add>, %reduce_sum3A_573, %reduce_sum3A_574 [1, 2] : vector<1x8x1xf32> to vector<1xf32>
    %reduce_sum3A_576 = vector.shape_cast %reduce_sum3A_575 : vector<1xf32> to vector<1x1x1xf32>
    %reduce_sum3A_577 = vector.extract %reduce_sum3A_576[0, 0, 0] : f32 from vector<1x1x1xf32>
    %add3A_578 = vector.broadcast %reduce_sum3A_577 : f32 to vector<8x128xf32>
    %add3A_579 = arith.addf %add3A_578, %add3A_570 : vector<8x128xf32>
    %sub3A_580 = arith.subf %add3A_579, %add3A_572 : vector<8x128xf32>
    %max3A_581 = arith.constant 1.000000e+00 : f32
    %max3A_582 = vector.broadcast %max3A_581 : f32 to vector<8x128xf32>
    %max3A_583 = arith.maximumf %sub3A_580, %max3A_582 : vector<8x128xf32>
    %gt3A_584 = arith.constant 0.000000e+00 : f32
    %gt3A_585 = vector.broadcast %gt3A_584 : f32 to vector<8x128xf32>
    %gt3A_586 = arith.cmpf ogt, %add3A_570, %gt3A_585 : vector<8x128xf32>
    %sub3A_587 = vector.broadcast %reduce_sum3A_577 : f32 to vector<8x128xf32>
    %sub3A_588 = arith.subf %sub3A_587, %add3A_572 : vector<8x128xf32>
    %div3A_589 = arith.divf %sub3A_588, %max3A_583 : vector<8x128xf32>
    %sub3A_590 = arith.constant 1.000000e+00 : f32
    %sub3A_591 = vector.broadcast %sub3A_590 : f32 to vector<8x128xf32>
    %sub3A_592 = arith.subf %sub3A_591, %div3A_589 : vector<8x128xf32>
    %jit3A_593 = arith.constant 0.000000e+00 : f32
    %broadcast_in_dim3A_594 = vector.broadcast %jit3A_593 : f32 to vector<8x128xf32>
    %select_n3A_595 = arith.select %gt3A_586, %sub3A_592, %broadcast_in_dim3A_594 : vector<8x128xi1>, vector<8x128xf32>
    %sub3A_596 = arith.subf %add3A_570, %add3A_556 : vector<8x128xf32>
    %sub3A_597 = arith.subf %add3A_572, %add3A_558 : vector<8x128xf32>
    %add3A_598 = vector.broadcast %reduce_sum3A_577 : f32 to vector<8x128xf32>
    %add3A_599 = arith.addf %add3A_598, %sub3A_596 : vector<8x128xf32>
    %sub3A_600 = arith.subf %add3A_599, %sub3A_597 : vector<8x128xf32>
    %max3A_601 = arith.constant 1.000000e+00 : f32
    %max3A_602 = vector.broadcast %max3A_601 : f32 to vector<8x128xf32>
    %max3A_603 = arith.maximumf %sub3A_600, %max3A_602 : vector<8x128xf32>
    %gt3A_604 = arith.constant 0.000000e+00 : f32
    %gt3A_605 = vector.broadcast %gt3A_604 : f32 to vector<8x128xf32>
    %gt3A_606 = arith.cmpf ogt, %sub3A_596, %gt3A_605 : vector<8x128xf32>
    %sub3A_607 = vector.broadcast %reduce_sum3A_577 : f32 to vector<8x128xf32>
    %sub3A_608 = arith.subf %sub3A_607, %sub3A_597 : vector<8x128xf32>
    %div3A_609 = arith.divf %sub3A_608, %max3A_603 : vector<8x128xf32>
    %sub3A_610 = arith.constant 1.000000e+00 : f32
    %sub3A_611 = vector.broadcast %sub3A_610 : f32 to vector<8x128xf32>
    %sub3A_612 = arith.subf %sub3A_611, %div3A_609 : vector<8x128xf32>
    %jit3A_613 = arith.constant 0.000000e+00 : f32
    %broadcast_in_dim3A_614 = vector.broadcast %jit3A_613 : f32 to vector<8x128xf32>
    %select_n3A_615 = arith.select %gt3A_606, %sub3A_612, %broadcast_in_dim3A_614 : vector<8x128xi1>, vector<8x128xf32>
    %sub3A_616 = arith.subf %select_n3A_595, %select_n3A_615 : vector<8x128xf32>
    %mul3A_617 = arith.mulf %div3A_29, %sub3A_616 : vector<8x128xf32>
    %reduce_sum3A_618 = vector.shape_cast %mul3A_617 : vector<8x128xf32> to vector<1x8x128xf32>
    %reduce_sum3A_619 = arith.constant dense<0.000000e+00> : vector<1xf32>
    %reduce_sum3A_620 = vector.multi_reduction <add>, %reduce_sum3A_618, %reduce_sum3A_619 [1, 2] : vector<1x8x128xf32> to vector<1xf32>
    %reduce_sum3A_621 = vector.shape_cast %reduce_sum3A_620 : vector<1xf32> to vector<1x1x1xf32>
    %reduce_sum3A_622 = vector.extract %reduce_sum3A_621[0, 0, 0] : f32 from vector<1x1x1xf32>
    %reshape3A_623 = vector.broadcast %reduce_sum3A_622 : f32 to vector<1x1xf32>
    %add3A_624 = arith.addf %add3A_538, %reshape3A_623 : vector<1x1xf32>
    %broadcast_in_dim3A_625 = arith.constant 0.000000e+00 : f32
    %broadcast_in_dim3A_626 = vector.broadcast %broadcast_in_dim3A_625 : f32 to vector<8x128xf32>
    %broadcast_in_dim3A_627 = arith.constant 0.000000e+00 : f32
    %broadcast_in_dim3A_628 = vector.broadcast %broadcast_in_dim3A_627 : f32 to vector<8x128xf32>
    %slice3A_629 = vector.extract_strided_slice %convert_element_type3A {offsets = [448, 0], sizes = [8, 128], strides = [1, 1]} : vector<512x128xf32> to vector<8x128xf32>
    %add3A_630 = arith.addf %broadcast_in_dim3A_626, %slice3A_629 : vector<8x128xf32>
    %slice3A_631 = vector.extract_strided_slice %convert_element_type3A {offsets = [456, 0], sizes = [8, 128], strides = [1, 1]} : vector<512x128xf32> to vector<8x128xf32>
    %add3A_632 = arith.addf %broadcast_in_dim3A_628, %slice3A_631 : vector<8x128xf32>
    %slice3A_633 = vector.extract_strided_slice %convert_element_type3A {offsets = [464, 0], sizes = [8, 128], strides = [1, 1]} : vector<512x128xf32> to vector<8x128xf32>
    %add3A_634 = arith.addf %add3A_630, %slice3A_633 : vector<8x128xf32>
    %slice3A_635 = vector.extract_strided_slice %convert_element_type3A {offsets = [472, 0], sizes = [8, 128], strides = [1, 1]} : vector<512x128xf32> to vector<8x128xf32>
    %add3A_636 = arith.addf %add3A_632, %slice3A_635 : vector<8x128xf32>
    %slice3A_637 = vector.extract_strided_slice %convert_element_type3A {offsets = [480, 0], sizes = [8, 128], strides = [1, 1]} : vector<512x128xf32> to vector<8x128xf32>
    %add3A_638 = arith.addf %add3A_634, %slice3A_637 : vector<8x128xf32>
    %slice3A_639 = vector.extract_strided_slice %convert_element_type3A {offsets = [488, 0], sizes = [8, 128], strides = [1, 1]} : vector<512x128xf32> to vector<8x128xf32>
    %add3A_640 = arith.addf %add3A_636, %slice3A_639 : vector<8x128xf32>
    %slice3A_641 = vector.extract_strided_slice %convert_element_type3A {offsets = [496, 0], sizes = [8, 128], strides = [1, 1]} : vector<512x128xf32> to vector<8x128xf32>
    %add3A_642 = arith.addf %add3A_638, %slice3A_641 : vector<8x128xf32>
    %slice3A_643 = vector.extract_strided_slice %convert_element_type3A {offsets = [504, 0], sizes = [8, 128], strides = [1, 1]} : vector<512x128xf32> to vector<8x128xf32>
    %add3A_644 = arith.addf %add3A_640, %slice3A_643 : vector<8x128xf32>
    %dot_general3A_645 = arith.constant dense<0.000000e+00> : vector<8x128xf32>
    %dot_general3A_646 = tpu.matmul %add3A_642, %convert_element_type3A_4, %dot_general3A_645 {dimension_numbers = #tpu.dot_dimension_numbers<[1], [0], [0], [1], [0, 0, 1, 1], [], []>, transpose_lhs_hint = false} : vector<8x128xf32>, vector<128x128xf32>, vector<8x128xf32> -> vector<8x128xf32>
    %dot_general3A_647 = arith.constant dense<0.000000e+00> : vector<8x128xf32>
    %dot_general3A_648 = tpu.matmul %add3A_644, %convert_element_type3A_4, %dot_general3A_647 {dimension_numbers = #tpu.dot_dimension_numbers<[1], [0], [0], [1], [0, 0, 1, 1], [], []>, transpose_lhs_hint = false} : vector<8x128xf32>, vector<128x128xf32>, vector<8x128xf32> -> vector<8x128xf32>
    %slice3A_649 = vector.extract_strided_slice %dot_general3A_646 {offsets = [0, 0], sizes = [8, 1], strides = [1, 1]} : vector<8x128xf32> to vector<8x1xf32>
    %slice3A_650 = vector.extract_strided_slice %dot_general3A_648 {offsets = [0, 0], sizes = [8, 1], strides = [1, 1]} : vector<8x128xf32> to vector<8x1xf32>
    %dot_general3A_651 = arith.constant dense<0.000000e+00> : vector<8x1xf32>
    %dot_general3A_652 = tpu.matmul %convert_element_type3A_8, %slice3A_649, %dot_general3A_651 {dimension_numbers = #tpu.dot_dimension_numbers<[1], [0], [0], [1], [0, 0, 1, 1], [], []>, transpose_lhs_hint = false} : vector<8x8xf32>, vector<8x1xf32>, vector<8x1xf32> -> vector<8x1xf32>
    %dot_general3A_653 = arith.constant dense<0.000000e+00> : vector<8x1xf32>
    %dot_general3A_654 = tpu.matmul %convert_element_type3A_8, %slice3A_650, %dot_general3A_653 {dimension_numbers = #tpu.dot_dimension_numbers<[1], [0], [0], [1], [0, 0, 1, 1], [], []>, transpose_lhs_hint = false} : vector<8x8xf32>, vector<8x1xf32>, vector<8x1xf32> -> vector<8x1xf32>
    %add3A_655 = vector.broadcast %dot_general3A_652 : vector<8x1xf32> to vector<8x128xf32>
    %add3A_656 = arith.addf %dot_general3A_646, %add3A_655 : vector<8x128xf32>
    %add3A_657 = vector.broadcast %dot_general3A_654 : vector<8x1xf32> to vector<8x128xf32>
    %add3A_658 = arith.addf %dot_general3A_648, %add3A_657 : vector<8x128xf32>
    %reduce_sum3A_659 = vector.shape_cast %slice3A_650 : vector<8x1xf32> to vector<1x8x1xf32>
    %reduce_sum3A_660 = arith.constant dense<0.000000e+00> : vector<1xf32>
    %reduce_sum3A_661 = vector.multi_reduction <add>, %reduce_sum3A_659, %reduce_sum3A_660 [1, 2] : vector<1x8x1xf32> to vector<1xf32>
    %reduce_sum3A_662 = vector.shape_cast %reduce_sum3A_661 : vector<1xf32> to vector<1x1x1xf32>
    %reduce_sum3A_663 = vector.extract %reduce_sum3A_662[0, 0, 0] : f32 from vector<1x1x1xf32>
    %add3A_664 = vector.broadcast %reduce_sum3A_663 : f32 to vector<8x128xf32>
    %add3A_665 = arith.addf %add3A_664, %add3A_656 : vector<8x128xf32>
    %sub3A_666 = arith.subf %add3A_665, %add3A_658 : vector<8x128xf32>
    %max3A_667 = arith.constant 1.000000e+00 : f32
    %max3A_668 = vector.broadcast %max3A_667 : f32 to vector<8x128xf32>
    %max3A_669 = arith.maximumf %sub3A_666, %max3A_668 : vector<8x128xf32>
    %gt3A_670 = arith.constant 0.000000e+00 : f32
    %gt3A_671 = vector.broadcast %gt3A_670 : f32 to vector<8x128xf32>
    %gt3A_672 = arith.cmpf ogt, %add3A_656, %gt3A_671 : vector<8x128xf32>
    %sub3A_673 = vector.broadcast %reduce_sum3A_663 : f32 to vector<8x128xf32>
    %sub3A_674 = arith.subf %sub3A_673, %add3A_658 : vector<8x128xf32>
    %div3A_675 = arith.divf %sub3A_674, %max3A_669 : vector<8x128xf32>
    %sub3A_676 = arith.constant 1.000000e+00 : f32
    %sub3A_677 = vector.broadcast %sub3A_676 : f32 to vector<8x128xf32>
    %sub3A_678 = arith.subf %sub3A_677, %div3A_675 : vector<8x128xf32>
    %jit3A_679 = arith.constant 0.000000e+00 : f32
    %broadcast_in_dim3A_680 = vector.broadcast %jit3A_679 : f32 to vector<8x128xf32>
    %select_n3A_681 = arith.select %gt3A_672, %sub3A_678, %broadcast_in_dim3A_680 : vector<8x128xi1>, vector<8x128xf32>
    %sub3A_682 = arith.subf %add3A_656, %add3A_642 : vector<8x128xf32>
    %sub3A_683 = arith.subf %add3A_658, %add3A_644 : vector<8x128xf32>
    %add3A_684 = vector.broadcast %reduce_sum3A_663 : f32 to vector<8x128xf32>
    %add3A_685 = arith.addf %add3A_684, %sub3A_682 : vector<8x128xf32>
    %sub3A_686 = arith.subf %add3A_685, %sub3A_683 : vector<8x128xf32>
    %max3A_687 = arith.constant 1.000000e+00 : f32
    %max3A_688 = vector.broadcast %max3A_687 : f32 to vector<8x128xf32>
    %max3A_689 = arith.maximumf %sub3A_686, %max3A_688 : vector<8x128xf32>
    %gt3A_690 = arith.constant 0.000000e+00 : f32
    %gt3A_691 = vector.broadcast %gt3A_690 : f32 to vector<8x128xf32>
    %gt3A_692 = arith.cmpf ogt, %sub3A_682, %gt3A_691 : vector<8x128xf32>
    %sub3A_693 = vector.broadcast %reduce_sum3A_663 : f32 to vector<8x128xf32>
    %sub3A_694 = arith.subf %sub3A_693, %sub3A_683 : vector<8x128xf32>
    %div3A_695 = arith.divf %sub3A_694, %max3A_689 : vector<8x128xf32>
    %sub3A_696 = arith.constant 1.000000e+00 : f32
    %sub3A_697 = vector.broadcast %sub3A_696 : f32 to vector<8x128xf32>
    %sub3A_698 = arith.subf %sub3A_697, %div3A_695 : vector<8x128xf32>
    %jit3A_699 = arith.constant 0.000000e+00 : f32
    %broadcast_in_dim3A_700 = vector.broadcast %jit3A_699 : f32 to vector<8x128xf32>
    %select_n3A_701 = arith.select %gt3A_692, %sub3A_698, %broadcast_in_dim3A_700 : vector<8x128xi1>, vector<8x128xf32>
    %sub3A_702 = arith.subf %select_n3A_681, %select_n3A_701 : vector<8x128xf32>
    %mul3A_703 = arith.mulf %div3A_29, %sub3A_702 : vector<8x128xf32>
    %reduce_sum3A_704 = vector.shape_cast %mul3A_703 : vector<8x128xf32> to vector<1x8x128xf32>
    %reduce_sum3A_705 = arith.constant dense<0.000000e+00> : vector<1xf32>
    %reduce_sum3A_706 = vector.multi_reduction <add>, %reduce_sum3A_704, %reduce_sum3A_705 [1, 2] : vector<1x8x128xf32> to vector<1xf32>
    %reduce_sum3A_707 = vector.shape_cast %reduce_sum3A_706 : vector<1xf32> to vector<1x1x1xf32>
    %reduce_sum3A_708 = vector.extract %reduce_sum3A_707[0, 0, 0] : f32 from vector<1x1x1xf32>
    %reshape3A_709 = vector.broadcast %reduce_sum3A_708 : f32 to vector<1x1xf32>
    %add3A_710 = arith.addf %add3A_624, %reshape3A_709 : vector<1x1xf32>
    %squeeze3A = vector.extract %add3A_710[0, 0] : f32 from vector<1x1xf32>
    %mul3A_711 = arith.constant 1.250000e-01 : f32
    %mul3A_712 = arith.mulf %squeeze3A, %mul3A_711 : f32
    %swap3A = arith.constant 0 : index
    %swap3A_713 = arith.constant 0 : index
    %swap3A_714 = memref.load %arg1[%swap3A, %swap3A_713] : memref<1x1xf32, #tpu.memory_space<smem>>
    memref.store %mul3A_712, %arg1[%swap3A, %swap3A_713] : memref<1x1xf32, #tpu.memory_space<smem>>
    return
  }
}

module attributes {stable_mosaic.version = 14 : i64} {
  func.func @_tc_prepack_body(%arg0: i32, %arg1: memref<1x1x512x512xf32, #tpu.memory_space<vmem>>, %arg2: memref<1x512x512xi32, #tpu.memory_space<vmem>>, %arg3: memref<2048x128xi32, #tpu.memory_space<vmem>>) attributes {dimension_semantics = [#tpu.dimension_semantics<arbitrary>], iteration_bounds = array<i64: 8>, scalar_prefetch = 0 : i64, scratch_operands = 0 : i64, tpu.core_type = #tpu.core_type<tc>, window_params = [{transform_indices = @transform_0, window_bounds = array<i64: 1, 1, 512, 512>}, {transform_indices = @transform_1, window_bounds = array<i64: 1, 512, 512>}, {transform_indices = @transform_2, window_bounds = array<i64: 2048, 128>}]} {
    %get3A = arith.constant 0 : index
    %get3A_0 = arith.constant 0 : index
    %get3A_1 = arith.constant 0 : index
    %get3A_2 = arith.constant 0 : index
    %get3A_3 = vector.load %arg1[%get3A, %get3A_0, %get3A_1, %get3A_2] : memref<1x1x512x512xf32, #tpu.memory_space<vmem>>, vector<1x1x512x512xf32>
    %get3A_4 = vector.shape_cast %get3A_3 : vector<1x1x512x512xf32> to vector<512x512xf32>
    %get3A_5 = arith.constant 0 : index
    %get3A_6 = arith.constant 0 : index
    %get3A_7 = arith.constant 0 : index
    %get3A_8 = vector.load %arg2[%get3A_5, %get3A_6, %get3A_7] : memref<1x512x512xi32, #tpu.memory_space<vmem>>, vector<1x512x512xi32>
    %get3A_9 = vector.shape_cast %get3A_8 : vector<1x512x512xi32> to vector<512x512xi32>
    %eq3A = arith.constant 1 : i32
    %eq3A_10 = vector.broadcast %eq3A : i32 to vector<512x512xi32>
    %eq3A_11 = arith.cmpi eq, %get3A_9, %eq3A_10 : vector<512x512xi32>
    %neg3A = arith.constant 0.000000e+00 : f32
    %neg3A_12 = vector.broadcast %neg3A : f32 to vector<512x512xf32>
    %neg3A_13 = arith.subf %neg3A_12, %get3A_4 : vector<512x512xf32>
    %select_n3A = arith.select %eq3A_11, %neg3A_13, %get3A_4 : vector<512x512xi1>, vector<512x512xf32>
    %add3A = arith.constant 8.000000e+00 : f32
    %add3A_14 = vector.broadcast %add3A : f32 to vector<512x512xf32>
    %add3A_15 = arith.addf %select_n3A, %add3A_14 : vector<512x512xf32>
    %mul3A = arith.constant 6.400000e+01 : f32
    %mul3A_16 = vector.broadcast %mul3A : f32 to vector<512x512xf32>
    %mul3A_17 = arith.mulf %add3A_15, %mul3A_16 : vector<512x512xf32>
    %max3A = arith.constant 0.000000e+00 : f32
    %max3A_18 = vector.broadcast %max3A : f32 to vector<512x512xf32>
    %max3A_19 = arith.maximumf %mul3A_17, %max3A_18 : vector<512x512xf32>
    %min3A = arith.constant 1.023000e+03 : f32
    %min3A_20 = vector.broadcast %min3A : f32 to vector<512x512xf32>
    %min3A_21 = arith.minimumf %max3A_19, %min3A_20 : vector<512x512xf32>
    %convert_element_type3A = arith.fptosi %min3A_21 : vector<512x512xf32> to vector<512x512xi32>
    %jit3A = arith.constant 65536 : i32
    %jit3A_22 = arith.constant 0 : i32
    %broadcast_in_dim3A = vector.broadcast %jit3A : i32 to vector<512x512xi32>
    %broadcast_in_dim3A_23 = vector.broadcast %jit3A_22 : i32 to vector<512x512xi32>
    %select_n3A_24 = arith.select %eq3A_11, %broadcast_in_dim3A, %broadcast_in_dim3A_23 : vector<512x512xi1>, vector<512x512xi32>
    %add3A_25 = arith.addi %convert_element_type3A, %select_n3A_24 : vector<512x512xi32>
    %slice3A = vector.extract_strided_slice %add3A_25 {offsets = [0, 0], sizes = [512, 128], strides = [1, 1]} : vector<512x512xi32> to vector<512x128xi32>
    %swap3A = arith.constant 0 : index
    %swap3A_26 = arith.constant 0 : index
    %swap3A_27 = vector.load %arg3[%swap3A, %swap3A_26] : memref<2048x128xi32, #tpu.memory_space<vmem>>, vector<512x128xi32>
    tpu.vector_store %arg3[%swap3A, %swap3A_26], %slice3A {strides = array<i32>} : memref<2048x128xi32, #tpu.memory_space<vmem>>, vector<512x128xi32>,
    %slice3A_28 = vector.extract_strided_slice %add3A_25 {offsets = [0, 128], sizes = [512, 128], strides = [1, 1]} : vector<512x512xi32> to vector<512x128xi32>
    %swap3A_29 = arith.constant 512 : index
    %swap3A_30 = arith.constant 0 : index
    %swap3A_31 = vector.load %arg3[%swap3A_29, %swap3A_30] : memref<2048x128xi32, #tpu.memory_space<vmem>>, vector<512x128xi32>
    tpu.vector_store %arg3[%swap3A_29, %swap3A_30], %slice3A_28 {strides = array<i32>} : memref<2048x128xi32, #tpu.memory_space<vmem>>, vector<512x128xi32>,
    %slice3A_32 = vector.extract_strided_slice %add3A_25 {offsets = [0, 256], sizes = [512, 128], strides = [1, 1]} : vector<512x512xi32> to vector<512x128xi32>
    %swap3A_33 = arith.constant 1024 : index
    %swap3A_34 = arith.constant 0 : index
    %swap3A_35 = vector.load %arg3[%swap3A_33, %swap3A_34] : memref<2048x128xi32, #tpu.memory_space<vmem>>, vector<512x128xi32>
    tpu.vector_store %arg3[%swap3A_33, %swap3A_34], %slice3A_32 {strides = array<i32>} : memref<2048x128xi32, #tpu.memory_space<vmem>>, vector<512x128xi32>,
    %slice3A_36 = vector.extract_strided_slice %add3A_25 {offsets = [0, 384], sizes = [512, 128], strides = [1, 1]} : vector<512x512xi32> to vector<512x128xi32>
    %swap3A_37 = arith.constant 1536 : index
    %swap3A_38 = arith.constant 0 : index
    %swap3A_39 = vector.load %arg3[%swap3A_37, %swap3A_38] : memref<2048x128xi32, #tpu.memory_space<vmem>>, vector<512x128xi32>
    tpu.vector_store %arg3[%swap3A_37, %swap3A_38], %slice3A_36 {strides = array<i32>} : memref<2048x128xi32, #tpu.memory_space<vmem>>, vector<512x128xi32>,
    return
  }
  func.func @transform_0(%arg0: i32) -> (i32, i32, i32, i32) {
    %c1_i32 = arith.constant 1 : i32
    %c0_i32 = arith.constant 0 : i32
    %c0_i32_0 = arith.constant 0 : i32
    %c0_i32_1 = arith.constant 0 : i32
    return %arg0, %c1_i32, %c0_i32, %c0_i32_0 : i32, i32, i32, i32
  }
  func.func @transform_1(%arg0: i32) -> (i32, i32, i32) {
    %c0_i32 = arith.constant 0 : i32
    %c0_i32_0 = arith.constant 0 : i32
    %c0_i32_1 = arith.constant 0 : i32
    return %arg0, %c0_i32, %c0_i32_0 : i32, i32, i32
  }
  func.func @transform_2(%arg0: i32) -> (i32, i32) {
    %c0_i32 = arith.constant 0 : i32
    %c0_i32_0 = arith.constant 0 : i32
    return %arg0, %c0_i32 : i32, i32
  }
}

</mosaic_0001>

<sc_bundles>
// kernel: kernel.5.cloned.1.call-start
scs
__scs_entry_jumppad:
0x0: {  	(pc) =	sbr.rel $0x88, $3  }
0x1: {  	(tag) =	ssettag $0x0;
	lr =	simm.s32 $0x1  }
0x2: {  	[smem:$0x3F9F] =	sst lr;
	_ =	strace $0xD0000000  }
0x3: {  	_ = 	snop  }
0x4: {  	_ = 	snop  }
0x5: {  	_ = 	snop  }
0x6: {  	_ = 	snop  }
0x7: {  	_ = 	snop  }
__scs_overlays_trampoline_lowered:
0x8: {  	[smem:$0x3FAE] =	sst s0  }
0x9: {  	[smem:$0x3FAF] =	sst s1  }
0xa: {  	[smem:$0x3FB0] =	sst s2  }
0xb: {  	[smem:$0x3FB1] =	sst s3  }
0xc: {  	[smem:$0x3FB2] =	sst s4  }
0xd: {  	[smem:$0x3FB3] =	sst s5  }
0xe: {  	[smem:$0x3FB4] =	sst s6  }
0xf: {  	[smem:$0x3FB5] =	sst s7  }
0x10: {  	[smem:$0x3FB6] =	sst s8  }
0x11: {  	[smem:$0x3FB7] =	sst s9;
	s0 =	simm.s32 @!p0 $0x0  }
0x12: {  	s1 =	sld [smem:$0x3F9D];
	s0 =	simm.s32 @p0 $0x1  }
0x13: {  	[smem:$0x3FB8] =	sst s0;
	s0 =	simm.s32 @!p1 $0x0  }
0x14: {  	s2 =	sld [smem:$0x3F9C];
	s0 =	simm.s32 @p1 $0x1  }
0x15: {  	[smem:$0x3FB9] =	sst s0;
	s0 =	simm.s32 @!p2 $0x0  }
0x16: {  	s3 =	sld [smem:$0x3FDB];
	s0 =	simm.s32 @p2 $0x1  }
0x17: {  	s4 =	simm.s32 $0x1BF5;
	[smem:$0x3FBB] =	sst s0  }
0x18: {  	s0 =	sld [smem:$0x3F9E];
	_ =	swait.ge [sflag:s4], $0x0  }
0x19: {  	s7 =	sld [smem:$0x3F9F]  }
0x1a: {  	s8 =	sadd.s32 $0xFFFFE003, lr  }
0x1b: {  	s9 =	sadd.s32 $0xFFFFFEF7, lr;
	s5 =	simm.s32 $0xFFFFFFFF;
	p2 =	slt.u32 s8, $0xFFFFF086  }
0x1c: {  	p1 =	slt.u32 s9, $0xF7A;
	s5 =	simm.s32 @!p2 $0x0  }
0x1d: {  	s5 =	simm.s32 @p1 $0x1;
	p0 =	seq.s32 s7, s2  }
0x1e: {  	s7 =	smul.u32 @!p0 $0xF7A, s2;
	p2 =	seq.s32 @!p0 s5, $0x0  }
0x1f: {  	s9 =	smul.u32 $0xF7A, s1;
	s8 =	simm.s32 @!p0 $0x1BF5;
	p2 =	por !p2, p0  }
0x20: {  	[sflag:s8] =	ssyncset.s32 @!p0 $0xFFFFF086;
	s6 =	sadd.s32 @!p0 s3, s7;
	s7 =	simm.s32 @!p0 $0x108  }
0x21: {  	s3 =	sadd.s32 s3, s9;
	s6 =	sadd.s32 @!p0 $0x88, s6;
	s7 =	simm.s32 @p2 $0x1082  }
0x22: {  	[simem:s7], [sflag:s8] =	dma.local @!p0 [hbm:s6], $0xF7A  }
0x23: {  	s9 =	sor.u32 $0xD0000000, s2;
	s6 =	simm.s32 $0x108;
	_ =	swait.ge @!p0 [sflag:s8], $0x0  }
0x24: {  	s3 =	sadd.s32 $0x88, s3;
	s6 =	simm.s32 @!p1 $0x1082;
	[sflag:s4] =	ssyncset.s32 $0xFFFFF086  }
0x25: {  	[simem:s6], [sflag:s4] =	dma.local [hbm:s3], $0xF7A  }
0x26: {  	[smem:$0x3F9F] =	sst s1;
	(tag) =	ssettag s2;
	_ =	strace s9  }
0x27: {  	s1 =	sld [smem:$0x3FAF]  }
0x28: {  	s2 =	sld [smem:$0x3FB0]  }
0x29: {  	s4 =	sld [smem:$0x3FB2]  }
0x2a: {  	p0 =	seq.s32 s5, $0x0;
	s5 =	sld [smem:$0x3FB3]  }
0x2b: {  	s6 =	sld [smem:$0x3FB4]  }
0x2c: {  	s7 =	sld [smem:$0x3FB5]  }
0x2d: {  	s3 =	simm.s32 $0x108;
	s8 =	sld [smem:$0x3FB6]  }
0x2e: {  	s3 =	simm.s32 @!p0 $0x1082;
	s9 =	sld [smem:$0x3FB7]  }
0x2f: {  	lr =	sadd.s32 s0, s3;
	s0 =	sld [smem:$0x3FAE]  }
0x30: {  	s3 =	sld [smem:$0x3FB1]  }
0x31: {  	[smem:$0x3FBA] =	sst s10  }
0x32: {  	s10 =	sld [smem:$0x3FB8];
	_ =	sdelay $0x3  }
0x33: {  	p0 =	seq.s32 s10, $0x1;
	s10 =	sld [smem:$0x3FBA];
	_ =	sdelay $0x3  }
0x34: {  	[smem:$0x3FBA] =	sst s10  }
0x35: {  	s10 =	sld [smem:$0x3FB9];
	_ =	sdelay $0x3  }
0x36: {  	p1 =	seq.s32 s10, $0x1;
	s10 =	sld [smem:$0x3FBA];
	_ =	sdelay $0x3  }
0x37: {  	[smem:$0x3FBA] =	sst s10  }
0x38: {  	s10 =	sld [smem:$0x3FBB]  }
0x39: {  	_ = 	snop;
	(pc) =	sbr.ind lr, $3  }
0x3a: {  	_ = 	snop  }
0x3b: {  	_ = 	snop  }
0x3c: {  	p2 =	seq.s32 s10, $0x1;
	s10 =	sld [smem:$0x3FBA]  }
0x3d: {  	_ =	shalt  }
0x3e: {  	_ =	shalt  }
0x3f: {  	_ =	shalt  }
0x40: {  	_ =	shalt  }
0x41: {  	_ =	shalt  }
0x42: {  	_ =	shalt  }
0x43: {  	_ =	shalt  }
0x44: {  	_ =	shalt  }
0x45: {  	_ =	shalt  }
0x46: {  	_ =	shalt  }
0x47: {  	_ =	shalt  }
0x48: {  	_ =	shalt  }
0x49: {  	_ =	shalt  }
0x4a: {  	_ =	shalt  }
0x4b: {  	_ =	shalt  }
0x4c: {  	_ =	shalt  }
0x4d: {  	_ =	shalt  }
0x4e: {  	_ =	shalt  }
0x4f: {  	_ =	shalt  }
0x50: {  	_ =	shalt  }
0x51: {  	_ =	shalt  }
0x52: {  	_ =	shalt  }
0x53: {  	_ =	shalt  }
0x54: {  	_ =	shalt  }
0x55: {  	_ =	shalt  }
0x56: {  	_ =	shalt  }
0x57: {  	_ =	shalt  }
0x58: {  	_ =	shalt  }
0x59: {  	_ =	shalt  }
0x5a: {  	_ =	shalt  }
0x5b: {  	_ =	shalt  }
0x5c: {  	_ =	shalt  }
0x5d: {  	_ =	shalt  }
0x5e: {  	_ =	shalt  }
0x5f: {  	_ =	shalt  }
0x60: {  	_ =	shalt  }
0x61: {  	_ =	shalt  }
0x62: {  	_ =	shalt  }
0x63: {  	_ =	shalt  }
0x64: {  	_ =	shalt  }
0x65: {  	_ =	shalt  }
0x66: {  	_ =	shalt  }
0x67: {  	_ =	shalt  }
0x68: {  	_ =	shalt  }
0x69: {  	_ =	shalt  }
0x6a: {  	_ =	shalt  }
0x6b: {  	_ =	shalt  }
0x6c: {  	_ =	shalt  }
0x6d: {  	_ =	shalt  }
0x6e: {  	_ =	shalt  }
0x6f: {  	_ =	shalt  }
0x70: {  	_ =	shalt  }
0x71: {  	_ =	shalt  }
0x72: {  	_ =	shalt  }
0x73: {  	_ =	shalt  }
0x74: {  	_ =	shalt  }
0x75: {  	_ =	shalt  }
0x76: {  	_ =	shalt  }
0x77: {  	_ =	shalt  }
0x78: {  	_ =	shalt  }
0x79: {  	_ =	shalt  }
0x7a: {  	_ =	shalt  }
0x7b: {  	_ =	shalt  }
0x7c: {  	_ =	shalt  }
0x7d: {  	_ =	shalt  }
0x7e: {  	_ =	shalt  }
0x7f: {  	_ =	shalt  }
0x80: {  	_ =	shalt  }
0x81: {  	_ =	shalt  }
0x82: {  	_ =	shalt  }
0x83: {  	_ =	shalt  }
0x84: {  	_ =	shalt  }
0x85: {  	_ =	shalt  }
0x86: {  	_ =	shalt  }
0x87: {  	_ =	shalt  }
.Lfunc_end0:
.L_simem_size_0:
called_computation_lowered:
.L_overlay_start_0:
0x88: {  	s2 =	sld [smem:$0x3FD9]  }
0x89: {  	s3 =	sld [smem:$0x3FFE];
	_ =	sdelay $0x1  }
0x8a: {  	s1 =	srdreg.scid  }
0x8b: {  	s0 =	sand.u32 $0x1, s1  }
0x8c: {  	s16 =	sshll.u32 s0, $0xA;
	s2 =	sadd.s32 s3, s2  }
0x8d: {  	s2 =	sadd.s32 s2, s16  }
0x8e: {  	[smem:$0x3FC6] =	sst s2  }
0x8f: {  	_ = 	snop  }
0x90: {  	(tm) =	ssettm $0x1  }
0x91: {  	s17 =	sld [smem:$0x3FFB];
	_ =	sdelay $0x3  }
0x92: {  	_ =	strace s17  }
0x93: {  	s2 =	sld [smem:$0x3FFC];
	_ =	sdelay $0x3  }
0x94: {  	_ =	strace s2  }
0x95: {  	s2 =	sld [smem:$0x3FFD];
	_ =	sdelay $0x3  }
0x96: {  	_ =	strace s2  }
0x97: {  	_ =	strace $0x8FFFFFFF  }
0x98: {  	s18 =	sld [smem:$0x3FDB];
	_ =	sdelay $0x1  }
0x99: {  	s19 =	simm.s32 $_scs_section_size  }
0x9a: {  	s4 =	simm.s32 $_size__tile_overlayer_lowered;
	s5 =	simm.s32 $_tile_overlayer_lowered  }
0x9b: {  	s22 =	simm.s32 $0x1BFF;
	s21 =	sshll.u32 s5, $0x1;
	s2 =	sadd.s32 s19, s18  }
0x9c: {  	s6 =	simm.s32 $0x0;
	s20 =	sshll.u32 s4, $0x1;
	s4 =	sadd.s32 s21, s2  }
0x9d: {  	[timem:s6], [sflag:s22] =	dma.local [hbm:s4], s20  }
0x9e: {  	_ =	swait.ge [sflag:s22], s20  }
0x9f: {  	s3 =	ssub.s32 $0x0, s20;
	[sflag:s22] =	ssyncset.done $0x0  }
0xa0: {  	[sflag:s22] =	ssyncadd.s32 s3;
	_ =	sdelay $0x1  }
0xa1: {  	s23 =	simm.s32 $0x1B8B  }
0xa2: {  	_ =	swait.ge [sflag:s23], $0x1  }
0xa3: {  	[sflag:s23] =	ssyncset.done $0x0  }
0xa4: {  	s25 =	simm.s32 $0x1B8E;
	s24 =	sld [smem:$0x3FFE];
	[sflag:s23] =	ssyncadd.s32 $0xFFFFFFFF  }
0xa5: {  	s26 =	simm.s32 $execute0_lowered;
	[smem:$0x3FD2] =	sst s25  }
0xa6: {  	s4 =	sshll.u32 s26, $0x1;
	_ =	strace $0x80000046;
	[dreg:$0x1] =	wrdreg $0xFFFFFFFF  }
0xa7: {  	s28 =	simm.s32 $_size_execute0_lowered;
	s2 =	sadd.s32 s2, s4;
	[dreg:$0x0] =	wrdreg $0x0  }
0xa8: {  	s4 =	sshll.u32 s28, $0x1;
	[dreg:$0x2] =	wrdreg s2  }
0xa9: {  	[dreg:$0x3] =	wrdreg s4  }
0xaa: {  	[dreg:$0x4] =	wrdreg $0xC0  }
0xab: {  	_ =	task [dreg:s6], $0x5FFFF  }
0xac: {  	[dreg:$0x1] =	wrdreg $0xFFFFFFFF  }
0xad: {  	[dreg:$0x0] =	wrdreg $0x60  }
0xae: {  	[dreg:$0x2] =	wrdreg s24  }
0xaf: {  	[dreg:$0x3] =	wrdreg $0x9  }
0xb0: {  	_ =	task.clear_ibuf [dreg:s6], $0x4FFFF;
	_ =	strace $0x90000046  }
0xb1: {  	s29 =	simm.s32 $0x9;
	_ =	strace $0x80000048  }
0xb2: {  	_ =	swait.ge [sflag:s29], $0x1  }
0xb3: {  	[sflag:s29] =	ssyncadd.s32 $0xFFFFFFFF  }
0xb4: {  	_ =	strace $0x90000048  }
0xb5: {  	_ =	sfence  }
0xb6: {  	s30 =	sld [smem:$0x0];
	_ =	sdelay $0x2  }
0xb7: {  	s31 =	sshll.u32 s1, $0xD;
	s1 =	sshrl.u32 s1, $0x2  }
0xb8: {  	s3 =	sand.u32 $0x4000, s31;
	s1 =	sadd.s32 s1, s30  }
0xb9: {  	s0 =	sor.u32 s3, s0;
	s1 =	sshll.u32 s1, $0x11  }
0xba: {  	s0 =	sor.u32 s1, s0  }
0xbb: {  	s0 =	sadd.s32 $0x8F2B, s0  }
0xbc: {  	[sflag:s0] =	ssyncadd.remote.s32 $0x1  }
0xbd: {  	_ =	sfence.sel $0xFFFF  }
0xbe: {  	[dreg:$0x0] =	wrdreg $0xFFFFFFFF;
	(pc) =	sbr.abs _section_cstart, $3  }
0xbf: {  	[dreg:$0x1] =	wrdreg $0xFFFFFFFF  }
0xc0: {  	_ =	task.clear_ibuf [dreg:s6], $0x2FFFF;
	_ =	strace $0x9FFFFFFF  }
0xc1: {  	(tm) =	ssettm $0x7FFFFFFF  }
tec
execute0_lowered:
.L_overlay_start_1:
0x0: {  	(tag) =	ssettag $0x1  }
0x1: {  	s3 =	rddreg [dreg:$0x0]  }
0x2: {  	s0 =	rddreg [dreg:$0x1]  }
0x3: {  	s2 =	simm.s32 $0x0;
	s4 =	srdreg.scid;
	s1 =	stileid.u32  }
0x4: {  	s10 =	simm.s32 $0x4000;
	s11 =	simm.s32 $0x8000;
	s12 =	simm.s32 $0x1  }
0x5: {  	s13 =	simm.s32 $0x2;
	s14 =	simm.s32 $0xC000;
	s15 =	simm.s32 $0x3  }
0x6: {  	s16 =	simm.s32 $0xC400;
	s4 =	sand.u32 $0x1, s4;
	s5 =	sshll.u32 s1, $0x1  }
0x7: {  	s17 =	simm.s32 $0x0;
	[smem:$0x7FF] =	sst s2;
	s5 =	sor.u32 s4, s5  }
0x8: {  	_ =	strace $0x80000047;
	s4 =	ssub.s32 $0x2, s4;
	s6 =	sshll.u32 s5, $0xD  }
0x9: {  	s5 =	sshll.u32 s5, $0x8;
	s7 =	sshrl.u32 s4, $0x1;
	s6 =	sadd.s32 s6, s3  }
0xa: {  	s8 =	sadd.s32 s5, s3;
	s9 =	ssub.s32 s4, s7;
	s3 =	sadd.s32 $0xA00, s6  }
0xb: {  	v1 =	vlaneseq.u32;
	s4 =	sadd.s32 $0x1200, s6;
	s5 =	sadd.s32 $0x1A00, s6;
	s6 =	sadd.s32 $0x2200, s6  }
0xc: {  	v0 =	vimm.s32 $0x0;
	v1 =	vmul.u32 $0x400, v1;
	s7 =	sadd.s32 $0x40A00, s8;
	s8 =	sadd.s32 $0x40A80, s8;
	s9 =	smax.u32 s9, $0x1  }
.LBB2_1:
0xd: {  	s18 =	simm.s32 $0x40  }
0xe: {  	[tilespmem:s18+$0xFFFFFFC0] =	vst v0  }
0xf: {  	[tilespmem:s18+$0x30] =	vst v0  }
0x10: {  	[tilespmem:s18+$0x20] =	vst v0  }
0x11: {  	[tilespmem:s18+$0x10] =	vst v0  }
0x12: {  	[tilespmem:s18+$0x0] =	vst v0  }
0x13: {  	[tilespmem:s18+$0xFFFFFFF0] =	vst v0  }
0x14: {  	s19 =	simm.s32 $0x0;
	[tilespmem:s18+$0xFFFFFFE0] =	vst v0  }
.LBB2_2:
0x15: {  	s19 =	sadd.s32 $0x8, s19;
	[tilespmem:s18+$0xFFFFFFD0] =	vst v0;
	s18 =	sadd.s32 $0x80, s18  }
0x16: {  	[tilespmem:s18+$0xFFFFFFC0] =	vst v0;
	p0 =	slt.u32 s19, $0x3F8  }
0x17: {  	[tilespmem:s18+$0x30] =	vst v0  }
.Ltmp0:
0x18: {  	[tilespmem:s18+$0x20] =	vst v0;
	(pc) =	sbr.rel @p0 .LBB2_2-.Ltmp0, $4  }
0x19: {  	[tilespmem:s18+$0x10] =	vst v0  }
0x1a: {  	[tilespmem:s18+$0x0] =	vst v0  }
0x1b: {  	[tilespmem:s18+$0xFFFFFFF0] =	vst v0  }
0x1c: {  	[tilespmem:s18+$0xFFFFFFE0] =	vst v0  }
0x1d: {  	[tilespmem:s18+$0xFFFFFFD0] =	vst v0  }
0x1e: {  	[tilespmem:s10], [sflag:$0x1] =	stream.linear.gather [hbm4b:s3+s2], $0x4000, $0x38;
	[tilespmem:$0xC800] =	vst v63  }
0x1f: {  	_ = 	snop  }
0x20: {  	[tilespmem:s11], [sflag:$0x2] =	stream.linear.gather [hbm4b:s4+s2], $0x4000, $0x38;
	[tilespmem:$0xC800] =	vst v63  }
0x21: {  	_ =	swait.ge [sflag:s12], $0x4000  }
0x22: {  	[sflag:s12] =	ssyncset.done $0x0  }
0x23: {  	s31 =	simm.s32 $0x4080;
	[sflag:s12] =	ssyncadd.s32 $0xFFFFC000  }
0x24: {  	v2 =	vld [tilespmem:s31+$0x70]  }
0x25: {  	v3 =	vld [tilespmem:s31+$0xFFFFFF90]  }
0x26: {  	v4 =	vld [tilespmem:s31+$0xFFFFFFA0]  }
0x27: {  	v5 =	vld [tilespmem:s31+$0xFFFFFFB0]  }
0x28: {  	v6 =	vld [tilespmem:s31+$0xFFFFFFC0]  }
0x29: {  	v7 =	vld [tilespmem:s31+$0xFFFFFFD0]  }
0x2a: {  	v10 =	vld [tilespmem:s31+$0xFFFFFFE0]  }
0x2b: {  	v14 =	vld [tilespmem:s31+$0x0]  }
0x2c: {  	v16 =	vld [tilespmem:s31+$0x10];
	v8 =	vand.u32 $0xFFFF, v2  }
0x2d: {  	v20 =	vld [tilespmem:s31+$0xFFFFFF80];
	v9 =	vand.u32 $0xFFFF, v3;
	v3 =	vand.u32 $0x10000, v3;
	v11 =	vand.u32 $0xFFFF, v4  }
0x2e: {  	v26 =	vld [tilespmem:s31+$0x60];
	v4 =	vand.u32 $0x10000, v4;
	v13 =	vand.u32 $0xFFFF, v5;
	v5 =	vand.u32 $0x10000, v5  }
0x2f: {  	v15 =	vand.u32 $0xFFFF, v6;
	v6 =	vand.u32 $0x10000, v6;
	v2 =	vand.u32 $0x10000, v2  }
0x30: {  	v17 =	vand.u32 $0xFFFF, v7;
	v7 =	vand.u32 $0x10000, v7;
	v19 =	vand.u32 $0xFFFF, v10  }
0x31: {  	v10 =	vand.u32 $0x10000, v10;
	v21 =	vand.u32 $0xFFFF, v14;
	v14 =	vand.u32 $0x10000, v14  }
0x32: {  	v12 =	vld [tilespmem:s31+$0xFFFFFFF0];
	v23 =	vand.u32 $0xFFFF, v16;
	v16 =	vand.u32 $0x10000, v16;
	v8 =	vadd.s32 v1, v8  }
0x33: {  	v18 =	vld [tilespmem:s31+$0x20];
	v27 =	vand.u32 $0xFFFF, v20;
	v61 =	vand.u32 $0x10000, v26;
	v9 =	vadd.s32 v1, v9  }
0x34: {  	v60 =	vld [tilespmem:s31+$0x30];
	v11 =	vadd.s32 v1, v11;
	v2 =	vor.u32 $0x1, v2;
	v13 =	vadd.s32 v1, v13  }
0x35: {  	v22 =	vld [tilespmem:s31+$0x40];
	v17 =	vadd.s32 v1, v17;
	v19 =	vadd.s32 v1, v19;
	v21 =	vadd.s32 v1, v21  }
0x36: {  	v24 =	vld [tilespmem:s31+$0x50];
	v3 =	vor.u32 $0x1, v3;
	v23 =	vadd.s32 v1, v23;
	v5 =	vor.u32 $0x1, v5  }
0x37: {  	v7 =	vor.u32 $0x1, v7;
	v10 =	vor.u32 $0x1, v10;
	v62 =	vor.u32 $0x1, v14;
	[tilespmem:v8+s2+$0x0] =	vst.idx.add.s32.msk $0xffff, v2  }
0x38: {  	v63 =	vor.u32 $0x1, v16;
	v8 =	vadd.s32 v1, v15;
	v2 =	vand.u32 $0xFFFF, v12;
	[tilespmem:v9+s2+$0x0] =	vst.idx.add.s32.msk $0xffff, v3  }
0x39: {  	v12 =	vand.u32 $0x10000, v12;
	v9 =	vadd.s32 v1, v27;
	v3 =	vor.u32 $0x1, v4;
	[tilespmem:v13+s2+$0x0] =	vst.idx.add.s32.msk $0xffff, v5  }
0x3a: {  	v4 =	vand.u32 $0xFFFF, v60;
	v15 =	vand.u32 $0x10000, v60;
	v5 =	vand.u32 $0xFFFF, v22;
	[tilespmem:v17+s2+$0x0] =	vst.idx.add.s32.msk $0xffff, v7  }
0x3b: {  	v7 =	vand.u32 $0x10000, v24;
	[tilespmem:v19+s2+$0x0] =	vst.idx.add.s32.msk $0xffff, v10;
	v25 =	vadd.s32 v1, v2;
	v2 =	vand.u32 $0xFFFF, v18  }
0x3c: {  	v18 =	vand.u32 $0x10000, v18;
	[tilespmem:v11+s2+$0x0] =	vst.idx.add.s32.msk $0xffff, v3;
	v3 =	vadd.s32 v1, v4;
	v4 =	vor.u32 $0x1, v6  }
0x3d: {  	[tilespmem:v21+s2+$0x0] =	vst.idx.add.s32.msk $0xffff, v62;
	v6 =	vand.u32 $0x10000, v20;
	v10 =	vor.u32 $0x1, v15;
	v2 =	vadd.s32 v1, v2  }
0x3e: {  	[tilespmem:v8+s2+$0x0] =	vst.idx.add.s32.msk $0xffff, v4;
	v4 =	vadd.s32 v1, v5;
	v5 =	vor.u32 $0x1, v6;
	v6 =	vand.u32 $0xFFFF, v24  }
0x3f: {  	v11 =	vor.u32 $0x1, v18;
	[tilespmem:v9+s2+$0x0] =	vst.idx.add.s32.msk $0xffff, v5;
	v5 =	vadd.s32 v1, v6;
	v6 =	vand.u32 $0xFFFF, v26  }
0x40: {  	[tilespmem:v23+s2+$0x0] =	vst.idx.add.s32.msk $0xffff, v63;
	v8 =	vand.u32 $0x10000, v22;
	v9 =	vor.u32 $0x1, v12;
	v6 =	vadd.s32 v1, v6  }
0x41: {  	s18 =	simm.s32 $0x0;
	s19 =	simm.s32 $0x4180;
	[tilespmem:v25+s2+$0x0] =	vst.idx.add.s32.msk $0xffff, v9;
	v9 =	vor.u32 $0x1, v8;
	v8 =	vor.u32 $0x1, v7;
	v7 =	vor.u32 $0x1, v61  }
.LBB2_4:
0x42: {  	v12 =	vld [tilespmem:s19+$0x70];
	s18 =	sadd.s32 $0x10, s18  }
0x43: {  	v13 =	vld [tilespmem:s19+$0xFFFFFF90];
	p0 =	slt.u32 s18, $0x3F0  }
0x44: {  	v14 =	vld [tilespmem:s19+$0xFFFFFFA0]  }
0x45: {  	v15 =	vld [tilespmem:s19+$0xFFFFFFB0]  }
0x46: {  	v16 =	vld [tilespmem:s19+$0xFFFFFFC0]  }
0x47: {  	v17 =	vld [tilespmem:s19+$0xFFFFFFD0];
	v18 =	vand.u32 $0xFFFF, v12  }
0x48: {  	v19 =	vand.u32 $0xFFFF, v13;
	v13 =	vand.u32 $0x10000, v13;
	v20 =	vld [tilespmem:s19+$0xFFFFFFE0];
	v18 =	vadd.s32 v1, v18  }
0x49: {  	v19 =	vadd.s32 v1, v19;
	v21 =	vand.u32 $0xFFFF, v14;
	v14 =	vand.u32 $0x10000, v14;
	v22 =	vld [tilespmem:s19+$0xFFFFFFF0]  }
0x4a: {  	v21 =	vadd.s32 v1, v21;
	v23 =	vand.u32 $0xFFFF, v15;
	v15 =	vand.u32 $0x10000, v15;
	v24 =	vld [tilespmem:s19+$0x0]  }
0x4b: {  	v12 =	vand.u32 $0x10000, v12;
	v25 =	vand.u32 $0xFFFF, v16;
	v16 =	vand.u32 $0x10000, v16;
	v26 =	vld [tilespmem:s19+$0x10]  }
0x4c: {  	v12 =	vor.u32 $0x1, v12;
	v27 =	vand.u32 $0xFFFF, v17;
	v17 =	vand.u32 $0x10000, v17;
	v28 =	vld [tilespmem:s19+$0x20]  }
0x4d: {  	v23 =	vadd.s32 v1, v23;
	v29 =	vand.u32 $0xFFFF, v20;
	v20 =	vand.u32 $0x10000, v20;
	[tilespmem:v18+s2+$0x0] =	vst.idx.add.s32.msk $0xffff, v12  }
0x4e: {  	v12 =	vadd.s32 v1, v25;
	v18 =	vand.u32 $0xFFFF, v22;
	v22 =	vand.u32 $0x10000, v22;
	v25 =	vld [tilespmem:s19+$0x30]  }
0x4f: {  	v27 =	vadd.s32 v1, v27;
	v30 =	vand.u32 $0xFFFF, v24;
	v24 =	vand.u32 $0x10000, v24;
	v31 =	vld [tilespmem:s19+$0x40]  }
0x50: {  	v29 =	vadd.s32 v1, v29;
	v32 =	vand.u32 $0xFFFF, v26;
	v26 =	vand.u32 $0x10000, v26;
	v33 =	vld [tilespmem:s19+$0x50]  }
0x51: {  	v18 =	vadd.s32 v1, v18;
	v34 =	vand.u32 $0xFFFF, v28;
	v28 =	vand.u32 $0x10000, v28;
	v35 =	vld [tilespmem:s19+$0x60]  }
0x52: {  	v30 =	vadd.s32 v1, v30;
	v32 =	vadd.s32 v1, v32;
	v36 =	vld [tilespmem:s19+$0xFFFFFF80];
	v34 =	vadd.s32 v1, v34  }
0x53: {  	v13 =	vor.u32 $0x1, v13;
	v37 =	vand.u32 $0xFFFF, v25;
	v25 =	vand.u32 $0x10000, v25;
	[tilespmem:v2+s2+$0x0] =	vst.idx.add.s32.msk $0xffff, v11;
	v2 =	vmovc v34  }
0x54: {  	[tilespmem:v19+s2+$0x0] =	vst.idx.add.s32.msk $0xffff, v13;
	v11 =	vadd.s32 v1, v37;
	v13 =	vand.u32 $0xFFFF, v31;
	v19 =	vand.u32 $0x10000, v31  }
0x55: {  	v13 =	vadd.s32 v1, v13;
	v31 =	vand.u32 $0xFFFF, v33;
	v33 =	vand.u32 $0x10000, v33;
	[tilespmem:v3+s2+$0x0] =	vst.idx.add.s32.msk $0xffff, v10;
	v3 =	vmovc v11  }
0x56: {  	v10 =	vadd.s32 v1, v31;
	v11 =	vand.u32 $0xFFFF, v35;
	v31 =	vand.u32 $0x10000, v35;
	[tilespmem:v4+s2+$0x0] =	vst.idx.add.s32.msk $0xffff, v9;
	v4 =	vmovc v13  }
0x57: {  	v9 =	vand.u32 $0xFFFF, v36;
	v13 =	vand.u32 $0x10000, v36;
	v11 =	vadd.s32 v1, v11;
	[tilespmem:v5+s2+$0x0] =	vst.idx.add.s32.msk $0xffff, v8;
	v5 =	vmovc v10  }
0x58: {  	v8 =	vor.u32 $0x1, v14;
	v13 =	vor.u32 $0x1, v13;
	v34 =	vadd.s32 v1, v9;
	[tilespmem:v6+s2+$0x0] =	vst.idx.add.s32.msk $0xffff, v7;
	v6 =	vmovc v11  }
0x59: {  	v7 =	vor.u32 $0x1, v15;
	v9 =	vor.u32 $0x1, v17;
	[tilespmem:v21+s2+$0x0] =	vst.idx.add.s32.msk $0xffff, v8;
	v8 =	vor.u32 $0x1, v16  }
0x5a: {  	v14 =	vor.u32 $0x1, v20;
	v15 =	vor.u32 $0x1, v22;
	v16 =	vor.u32 $0x1, v24;
	[tilespmem:v23+s2+$0x0] =	vst.idx.add.s32.msk $0xffff, v7  }
0x5b: {  	v10 =	vor.u32 $0x1, v25;
	v11 =	vor.u32 $0x1, v28;
	[tilespmem:v12+s2+$0x0] =	vst.idx.add.s32.msk $0xffff, v8;
	v12 =	vor.u32 $0x1, v26  }
0x5c: {  	v7 =	vor.u32 $0x1, v31;
	v8 =	vor.u32 $0x1, v33;
	[tilespmem:v27+s2+$0x0] =	vst.idx.add.s32.msk $0xffff, v9;
	v9 =	vor.u32 $0x1, v19  }
.Ltmp1:
0x5d: {  	[tilespmem:v34+s2+$0x0] =	vst.idx.add.s32.msk $0xffff, v13;
	(pc) =	sbr.rel @p0 .LBB2_4-.Ltmp1, $4  }
0x5e: {  	[tilespmem:v29+s2+$0x0] =	vst.idx.add.s32.msk $0xffff, v14  }
0x5f: {  	[tilespmem:v18+s2+$0x0] =	vst.idx.add.s32.msk $0xffff, v15  }
0x60: {  	[tilespmem:v30+s2+$0x0] =	vst.idx.add.s32.msk $0xffff, v16  }
0x61: {  	s19 =	sadd.s32 $0x100, s19;
	[tilespmem:v32+s2+$0x0] =	vst.idx.add.s32.msk $0xffff, v12  }
0x62: {  	_ =	sdelay $0x3  }
0x63: {  	[tilespmem:v2+s2+$0x0] =	vst.idx.add.s32.msk $0xffff, v11  }
0x64: {  	[tilespmem:v3+s2+$0x0] =	vst.idx.add.s32.msk $0xffff, v10  }
0x65: {  	[tilespmem:v4+s2+$0x0] =	vst.idx.add.s32.msk $0xffff, v9  }
0x66: {  	[tilespmem:v5+s2+$0x0] =	vst.idx.add.s32.msk $0xffff, v8  }
0x67: {  	[tilespmem:v6+s2+$0x0] =	vst.idx.add.s32.msk $0xffff, v7  }
0x68: {  	[tilespmem:s10], [sflag:$0x1] =	stream.linear.gather [hbm4b:s5+s2], $0x4000, $0x38;
	[tilespmem:$0xC800] =	vst v63  }
0x69: {  	_ =	swait.ge [sflag:s13], $0x4000  }
0x6a: {  	[sflag:s13] =	ssyncset.done $0x0  }
0x6b: {  	s18 =	simm.s32 $0x8080;
	[sflag:s13] =	ssyncadd.s32 $0xFFFFC000  }
0x6c: {  	v2 =	vld [tilespmem:s18+$0x70]  }
0x6d: {  	v3 =	vld [tilespmem:s18+$0xFFFFFF90]  }
0x6e: {  	v4 =	vld [tilespmem:s18+$0xFFFFFFA0]  }
0x6f: {  	v5 =	vld [tilespmem:s18+$0xFFFFFFB0]  }
0x70: {  	v6 =	vld [tilespmem:s18+$0xFFFFFFC0]  }
0x71: {  	v7 =	vld [tilespmem:s18+$0xFFFFFFD0]  }
0x72: {  	v10 =	vld [tilespmem:s18+$0xFFFFFFE0]  }
0x73: {  	v14 =	vld [tilespmem:s18+$0x0]  }
0x74: {  	v16 =	vld [tilespmem:s18+$0x10];
	v8 =	vand.u32 $0xFFFF, v2  }
0x75: {  	v20 =	vld [tilespmem:s18+$0xFFFFFF80];
	v9 =	vand.u32 $0xFFFF, v3;
	v3 =	vand.u32 $0x10000, v3;
	v11 =	vand.u32 $0xFFFF, v4  }
0x76: {  	v26 =	vld [tilespmem:s18+$0x60];
	v4 =	vand.u32 $0x10000, v4;
	v13 =	vand.u32 $0xFFFF, v5;
	v5 =	vand.u32 $0x10000, v5  }
0x77: {  	v15 =	vand.u32 $0xFFFF, v6;
	v6 =	vand.u32 $0x10000, v6;
	v2 =	vand.u32 $0x10000, v2  }
0x78: {  	v17 =	vand.u32 $0xFFFF, v7;
	v7 =	vand.u32 $0x10000, v7;
	v19 =	vand.u32 $0xFFFF, v10  }
0x79: {  	v10 =	vand.u32 $0x10000, v10;
	v21 =	vand.u32 $0xFFFF, v14;
	v14 =	vand.u32 $0x10000, v14  }
0x7a: {  	v12 =	vld [tilespmem:s18+$0xFFFFFFF0];
	v23 =	vand.u32 $0xFFFF, v16;
	v16 =	vand.u32 $0x10000, v16;
	v8 =	vadd.s32 v1, v8  }
0x7b: {  	v18 =	vld [tilespmem:s18+$0x20];
	v27 =	vand.u32 $0xFFFF, v20;
	v61 =	vand.u32 $0x10000, v26;
	v9 =	vadd.s32 v1, v9  }
0x7c: {  	v60 =	vld [tilespmem:s18+$0x30];
	v11 =	vadd.s32 v1, v11;
	v2 =	vor.u32 $0x1, v2;
	v13 =	vadd.s32 v1, v13  }
0x7d: {  	v22 =	vld [tilespmem:s18+$0x40];
	v17 =	vadd.s32 v1, v17;
	v19 =	vadd.s32 v1, v19;
	v21 =	vadd.s32 v1, v21  }
0x7e: {  	v24 =	vld [tilespmem:s18+$0x50];
	v3 =	vor.u32 $0x1, v3;
	v23 =	vadd.s32 v1, v23;
	v5 =	vor.u32 $0x1, v5  }
0x7f: {  	v7 =	vor.u32 $0x1, v7;
	v10 =	vor.u32 $0x1, v10;
	v62 =	vor.u32 $0x1, v14;
	[tilespmem:v8+s2+$0x0] =	vst.idx.add.s32.msk $0xffff, v2  }
0x80: {  	v63 =	vor.u32 $0x1, v16;
	v8 =	vadd.s32 v1, v15;
	v2 =	vand.u32 $0xFFFF, v12;
	[tilespmem:v9+s2+$0x0] =	vst.idx.add.s32.msk $0xffff, v3  }
0x81: {  	v12 =	vand.u32 $0x10000, v12;
	v9 =	vadd.s32 v1, v27;
	v3 =	vor.u32 $0x1, v4;
	[tilespmem:v13+s2+$0x0] =	vst.idx.add.s32.msk $0xffff, v5  }
0x82: {  	v4 =	vand.u32 $0xFFFF, v60;
	v15 =	vand.u32 $0x10000, v60;
	v5 =	vand.u32 $0xFFFF, v22;
	[tilespmem:v17+s2+$0x0] =	vst.idx.add.s32.msk $0xffff, v7  }
0x83: {  	v7 =	vand.u32 $0x10000, v24;
	[tilespmem:v19+s2+$0x0] =	vst.idx.add.s32.msk $0xffff, v10;
	v25 =	vadd.s32 v1, v2;
	v2 =	vand.u32 $0xFFFF, v18  }
0x84: {  	v18 =	vand.u32 $0x10000, v18;
	[tilespmem:v11+s2+$0x0] =	vst.idx.add.s32.msk $0xffff, v3;
	v3 =	vadd.s32 v1, v4;
	v4 =	vor.u32 $0x1, v6  }
0x85: {  	[tilespmem:v21+s2+$0x0] =	vst.idx.add.s32.msk $0xffff, v62;
	v6 =	vand.u32 $0x10000, v20;
	v10 =	vor.u32 $0x1, v15;
	v2 =	vadd.s32 v1, v2  }
0x86: {  	[tilespmem:v8+s2+$0x0] =	vst.idx.add.s32.msk $0xffff, v4;
	v4 =	vadd.s32 v1, v5;
	v5 =	vor.u32 $0x1, v6;
	v6 =	vand.u32 $0xFFFF, v24  }
0x87: {  	v11 =	vor.u32 $0x1, v18;
	[tilespmem:v9+s2+$0x0] =	vst.idx.add.s32.msk $0xffff, v5;
	v5 =	vadd.s32 v1, v6;
	v6 =	vand.u32 $0xFFFF, v26  }
0x88: {  	[tilespmem:v23+s2+$0x0] =	vst.idx.add.s32.msk $0xffff, v63;
	v8 =	vand.u32 $0x10000, v22;
	v9 =	vor.u32 $0x1, v12;
	v6 =	vadd.s32 v1, v6  }
0x89: {  	s19 =	simm.s32 $0x8180;
	s18 =	simm.s32 $0x0;
	[tilespmem:v25+s2+$0x0] =	vst.idx.add.s32.msk $0xffff, v9;
	v9 =	vor.u32 $0x1, v8;
	v8 =	vor.u32 $0x1, v7;
	v7 =	vor.u32 $0x1, v61  }
.LBB2_6:
0x8a: {  	v12 =	vld [tilespmem:s19+$0x70];
	s18 =	sadd.s32 $0x10, s18  }
0x8b: {  	v13 =	vld [tilespmem:s19+$0xFFFFFF90];
	p0 =	slt.u32 s18, $0x3F0  }
0x8c: {  	v14 =	vld [tilespmem:s19+$0xFFFFFFA0]  }
0x8d: {  	v15 =	vld [tilespmem:s19+$0xFFFFFFB0]  }
0x8e: {  	v16 =	vld [tilespmem:s19+$0xFFFFFFC0]  }
0x8f: {  	v17 =	vld [tilespmem:s19+$0xFFFFFFD0];
	v18 =	vand.u32 $0xFFFF, v12  }
0x90: {  	v19 =	vand.u32 $0xFFFF, v13;
	v13 =	vand.u32 $0x10000, v13;
	v20 =	vld [tilespmem:s19+$0xFFFFFFE0];
	v18 =	vadd.s32 v1, v18  }
0x91: {  	v19 =	vadd.s32 v1, v19;
	v21 =	vand.u32 $0xFFFF, v14;
	v14 =	vand.u32 $0x10000, v14;
	v22 =	vld [tilespmem:s19+$0xFFFFFFF0]  }
0x92: {  	v21 =	vadd.s32 v1, v21;
	v23 =	vand.u32 $0xFFFF, v15;
	v15 =	vand.u32 $0x10000, v15;
	v24 =	vld [tilespmem:s19+$0x0]  }
0x93: {  	v12 =	vand.u32 $0x10000, v12;
	v25 =	vand.u32 $0xFFFF, v16;
	v16 =	vand.u32 $0x10000, v16;
	v26 =	vld [tilespmem:s19+$0x10]  }
0x94: {  	v12 =	vor.u32 $0x1, v12;
	v27 =	vand.u32 $0xFFFF, v17;
	v17 =	vand.u32 $0x10000, v17;
	v28 =	vld [tilespmem:s19+$0x20]  }
0x95: {  	v23 =	vadd.s32 v1, v23;
	v29 =	vand.u32 $0xFFFF, v20;
	v20 =	vand.u32 $0x10000, v20;
	[tilespmem:v18+s2+$0x0] =	vst.idx.add.s32.msk $0xffff, v12  }
0x96: {  	v12 =	vadd.s32 v1, v25;
	v18 =	vand.u32 $0xFFFF, v22;
	v22 =	vand.u32 $0x10000, v22;
	v25 =	vld [tilespmem:s19+$0x30]  }
0x97: {  	v27 =	vadd.s32 v1, v27;
	v30 =	vand.u32 $0xFFFF, v24;
	v24 =	vand.u32 $0x10000, v24;
	v31 =	vld [tilespmem:s19+$0x40]  }
0x98: {  	v29 =	vadd.s32 v1, v29;
	v32 =	vand.u32 $0xFFFF, v26;
	v26 =	vand.u32 $0x10000, v26;
	v33 =	vld [tilespmem:s19+$0x50]  }
0x99: {  	v18 =	vadd.s32 v1, v18;
	v34 =	vand.u32 $0xFFFF, v28;
	v28 =	vand.u32 $0x10000, v28;
	v35 =	vld [tilespmem:s19+$0x60]  }
0x9a: {  	v30 =	vadd.s32 v1, v30;
	v32 =	vadd.s32 v1, v32;
	v36 =	vld [tilespmem:s19+$0xFFFFFF80];
	v34 =	vadd.s32 v1, v34  }
0x9b: {  	v13 =	vor.u32 $0x1, v13;
	v37 =	vand.u32 $0xFFFF, v25;
	v25 =	vand.u32 $0x10000, v25;
	[tilespmem:v2+s2+$0x0] =	vst.idx.add.s32.msk $0xffff, v11;
	v2 =	vmovc v34  }
0x9c: {  	[tilespmem:v19+s2+$0x0] =	vst.idx.add.s32.msk $0xffff, v13;
	v11 =	vadd.s32 v1, v37;
	v13 =	vand.u32 $0xFFFF, v31;
	v19 =	vand.u32 $0x10000, v31  }
0x9d: {  	v13 =	vadd.s32 v1, v13;
	v31 =	vand.u32 $0xFFFF, v33;
	v33 =	vand.u32 $0x10000, v33;
	[tilespmem:v3+s2+$0x0] =	vst.idx.add.s32.msk $0xffff, v10;
	v3 =	vmovc v11  }
0x9e: {  	v10 =	vadd.s32 v1, v31;
	v11 =	vand.u32 $0xFFFF, v35;
	v31 =	vand.u32 $0x10000, v35;
	[tilespmem:v4+s2+$0x0] =	vst.idx.add.s32.msk $0xffff, v9;
	v4 =	vmovc v13  }
0x9f: {  	v9 =	vand.u32 $0xFFFF, v36;
	v13 =	vand.u32 $0x10000, v36;
	v11 =	vadd.s32 v1, v11;
	[tilespmem:v5+s2+$0x0] =	vst.idx.add.s32.msk $0xffff, v8;
	v5 =	vmovc v10  }
0xa0: {  	v8 =	vor.u32 $0x1, v14;
	v13 =	vor.u32 $0x1, v13;
	v34 =	vadd.s32 v1, v9;
	[tilespmem:v6+s2+$0x0] =	vst.idx.add.s32.msk $0xffff, v7;
	v6 =	vmovc v11  }
0xa1: {  	v7 =	vor.u32 $0x1, v15;
	v9 =	vor.u32 $0x1, v17;
	[tilespmem:v21+s2+$0x0] =	vst.idx.add.s32.msk $0xffff, v8;
	v8 =	vor.u32 $0x1, v16  }
0xa2: {  	v14 =	vor.u32 $0x1, v20;
	v15 =	vor.u32 $0x1, v22;
	v16 =	vor.u32 $0x1, v24;
	[tilespmem:v23+s2+$0x0] =	vst.idx.add.s32.msk $0xffff, v7  }
0xa3: {  	v10 =	vor.u32 $0x1, v25;
	v11 =	vor.u32 $0x1, v28;
	[tilespmem:v12+s2+$0x0] =	vst.idx.add.s32.msk $0xffff, v8;
	v12 =	vor.u32 $0x1, v26  }
0xa4: {  	v7 =	vor.u32 $0x1, v31;
	v8 =	vor.u32 $0x1, v33;
	[tilespmem:v27+s2+$0x0] =	vst.idx.add.s32.msk $0xffff, v9;
	v9 =	vor.u32 $0x1, v19  }
.Ltmp2:
0xa5: {  	[tilespmem:v34+s2+$0x0] =	vst.idx.add.s32.msk $0xffff, v13;
	(pc) =	sbr.rel @p0 .LBB2_6-.Ltmp2, $4  }
0xa6: {  	[tilespmem:v29+s2+$0x0] =	vst.idx.add.s32.msk $0xffff, v14  }
0xa7: {  	[tilespmem:v18+s2+$0x0] =	vst.idx.add.s32.msk $0xffff, v15  }
0xa8: {  	[tilespmem:v30+s2+$0x0] =	vst.idx.add.s32.msk $0xffff, v16  }
0xa9: {  	s19 =	sadd.s32 $0x100, s19;
	[tilespmem:v32+s2+$0x0] =	vst.idx.add.s32.msk $0xffff, v12  }
0xaa: {  	_ =	sdelay $0x3  }
0xab: {  	[tilespmem:v2+s2+$0x0] =	vst.idx.add.s32.msk $0xffff, v11  }
0xac: {  	[tilespmem:v3+s2+$0x0] =	vst.idx.add.s32.msk $0xffff, v10  }
0xad: {  	[tilespmem:v4+s2+$0x0] =	vst.idx.add.s32.msk $0xffff, v9  }
0xae: {  	[tilespmem:v5+s2+$0x0] =	vst.idx.add.s32.msk $0xffff, v8  }
0xaf: {  	[tilespmem:v6+s2+$0x0] =	vst.idx.add.s32.msk $0xffff, v7  }
0xb0: {  	[tilespmem:s11], [sflag:$0x2] =	stream.linear.gather [hbm4b:s6+s2], $0x4000, $0x38;
	[tilespmem:$0xC800] =	vst v63  }
0xb1: {  	_ =	swait.ge [sflag:s12], $0x4000  }
0xb2: {  	[sflag:s12] =	ssyncset.done $0x0  }
0xb3: {  	s18 =	simm.s32 $0x4080;
	[sflag:s12] =	ssyncadd.s32 $0xFFFFC000  }
0xb4: {  	v2 =	vld [tilespmem:s18+$0x70]  }
0xb5: {  	v3 =	vld [tilespmem:s18+$0xFFFFFF90]  }
0xb6: {  	v4 =	vld [tilespmem:s18+$0xFFFFFFA0]  }
0xb7: {  	v5 =	vld [tilespmem:s18+$0xFFFFFFB0]  }
0xb8: {  	v6 =	vld [tilespmem:s18+$0xFFFFFFC0]  }
0xb9: {  	v7 =	vld [tilespmem:s18+$0xFFFFFFD0]  }
0xba: {  	v10 =	vld [tilespmem:s18+$0xFFFFFFE0]  }
0xbb: {  	v14 =	vld [tilespmem:s18+$0x0]  }
0xbc: {  	v16 =	vld [tilespmem:s18+$0x10];
	v8 =	vand.u32 $0xFFFF, v2  }
0xbd: {  	v20 =	vld [tilespmem:s18+$0xFFFFFF80];
	v9 =	vand.u32 $0xFFFF, v3;
	v3 =	vand.u32 $0x10000, v3;
	v11 =	vand.u32 $0xFFFF, v4  }
0xbe: {  	v26 =	vld [tilespmem:s18+$0x60];
	v4 =	vand.u32 $0x10000, v4;
	v13 =	vand.u32 $0xFFFF, v5;
	v5 =	vand.u32 $0x10000, v5  }
0xbf: {  	v15 =	vand.u32 $0xFFFF, v6;
	v6 =	vand.u32 $0x10000, v6;
	v2 =	vand.u32 $0x10000, v2  }
0xc0: {  	v17 =	vand.u32 $0xFFFF, v7;
	v7 =	vand.u32 $0x10000, v7;
	v19 =	vand.u32 $0xFFFF, v10  }
0xc1: {  	v10 =	vand.u32 $0x10000, v10;
	v21 =	vand.u32 $0xFFFF, v14;
	v14 =	vand.u32 $0x10000, v14  }
0xc2: {  	v12 =	vld [tilespmem:s18+$0xFFFFFFF0];
	v23 =	vand.u32 $0xFFFF, v16;
	v16 =	vand.u32 $0x10000, v16;
	v8 =	vadd.s32 v1, v8  }
0xc3: {  	v18 =	vld [tilespmem:s18+$0x20];
	v27 =	vand.u32 $0xFFFF, v20;
	v61 =	vand.u32 $0x10000, v26;
	v9 =	vadd.s32 v1, v9  }
0xc4: {  	v60 =	vld [tilespmem:s18+$0x30];
	v11 =	vadd.s32 v1, v11;
	v2 =	vor.u32 $0x1, v2;
	v13 =	vadd.s32 v1, v13  }
0xc5: {  	v22 =	vld [tilespmem:s18+$0x40];
	v17 =	vadd.s32 v1, v17;
	v19 =	vadd.s32 v1, v19;
	v21 =	vadd.s32 v1, v21  }
0xc6: {  	v24 =	vld [tilespmem:s18+$0x50];
	v3 =	vor.u32 $0x1, v3;
	v23 =	vadd.s32 v1, v23;
	v5 =	vor.u32 $0x1, v5  }
0xc7: {  	v7 =	vor.u32 $0x1, v7;
	v10 =	vor.u32 $0x1, v10;
	v62 =	vor.u32 $0x1, v14;
	[tilespmem:v8+s2+$0x0] =	vst.idx.add.s32.msk $0xffff, v2  }
0xc8: {  	v63 =	vor.u32 $0x1, v16;
	v8 =	vadd.s32 v1, v15;
	v2 =	vand.u32 $0xFFFF, v12;
	[tilespmem:v9+s2+$0x0] =	vst.idx.add.s32.msk $0xffff, v3  }
0xc9: {  	v12 =	vand.u32 $0x10000, v12;
	v9 =	vadd.s32 v1, v27;
	v3 =	vor.u32 $0x1, v4;
	[tilespmem:v13+s2+$0x0] =	vst.idx.add.s32.msk $0xffff, v5  }
0xca: {  	v4 =	vand.u32 $0xFFFF, v60;
	v15 =	vand.u32 $0x10000, v60;
	v5 =	vand.u32 $0xFFFF, v22;
	[tilespmem:v17+s2+$0x0] =	vst.idx.add.s32.msk $0xffff, v7  }
0xcb: {  	v7 =	vand.u32 $0x10000, v24;
	[tilespmem:v19+s2+$0x0] =	vst.idx.add.s32.msk $0xffff, v10;
	v25 =	vadd.s32 v1, v2;
	v2 =	vand.u32 $0xFFFF, v18  }
0xcc: {  	v18 =	vand.u32 $0x10000, v18;
	[tilespmem:v11+s2+$0x0] =	vst.idx.add.s32.msk $0xffff, v3;
	v3 =	vadd.s32 v1, v4;
	v4 =	vor.u32 $0x1, v6  }
0xcd: {  	[tilespmem:v21+s2+$0x0] =	vst.idx.add.s32.msk $0xffff, v62;
	v6 =	vand.u32 $0x10000, v20;
	v10 =	vor.u32 $0x1, v15;
	v2 =	vadd.s32 v1, v2  }
0xce: {  	[tilespmem:v8+s2+$0x0] =	vst.idx.add.s32.msk $0xffff, v4;
	v4 =	vadd.s32 v1, v5;
	v5 =	vor.u32 $0x1, v6;
	v6 =	vand.u32 $0xFFFF, v24  }
0xcf: {  	v11 =	vor.u32 $0x1, v18;
	[tilespmem:v9+s2+$0x0] =	vst.idx.add.s32.msk $0xffff, v5;
	v5 =	vadd.s32 v1, v6;
	v6 =	vand.u32 $0xFFFF, v26  }
0xd0: {  	[tilespmem:v23+s2+$0x0] =	vst.idx.add.s32.msk $0xffff, v63;
	v8 =	vand.u32 $0x10000, v22;
	v9 =	vor.u32 $0x1, v12;
	v6 =	vadd.s32 v1, v6  }
0xd1: {  	s19 =	simm.s32 $0x4180;
	s18 =	simm.s32 $0x0;
	[tilespmem:v25+s2+$0x0] =	vst.idx.add.s32.msk $0xffff, v9;
	v9 =	vor.u32 $0x1, v8;
	v8 =	vor.u32 $0x1, v7;
	v7 =	vor.u32 $0x1, v61  }
.LBB2_8:
0xd2: {  	v12 =	vld [tilespmem:s19+$0x70];
	s18 =	sadd.s32 $0x10, s18  }
0xd3: {  	v13 =	vld [tilespmem:s19+$0xFFFFFF90];
	p0 =	slt.u32 s18, $0x3F0  }
0xd4: {  	v14 =	vld [tilespmem:s19+$0xFFFFFFA0]  }
0xd5: {  	v15 =	vld [tilespmem:s19+$0xFFFFFFB0]  }
0xd6: {  	v16 =	vld [tilespmem:s19+$0xFFFFFFC0]  }
0xd7: {  	v17 =	vld [tilespmem:s19+$0xFFFFFFD0];
	v18 =	vand.u32 $0xFFFF, v12  }
0xd8: {  	v19 =	vand.u32 $0xFFFF, v13;
	v13 =	vand.u32 $0x10000, v13;
	v20 =	vld [tilespmem:s19+$0xFFFFFFE0];
	v18 =	vadd.s32 v1, v18  }
0xd9: {  	v19 =	vadd.s32 v1, v19;
	v21 =	vand.u32 $0xFFFF, v14;
	v14 =	vand.u32 $0x10000, v14;
	v22 =	vld [tilespmem:s19+$0xFFFFFFF0]  }
0xda: {  	v21 =	vadd.s32 v1, v21;
	v23 =	vand.u32 $0xFFFF, v15;
	v15 =	vand.u32 $0x10000, v15;
	v24 =	vld [tilespmem:s19+$0x0]  }
0xdb: {  	v12 =	vand.u32 $0x10000, v12;
	v25 =	vand.u32 $0xFFFF, v16;
	v16 =	vand.u32 $0x10000, v16;
	v26 =	vld [tilespmem:s19+$0x10]  }
0xdc: {  	v12 =	vor.u32 $0x1, v12;
	v27 =	vand.u32 $0xFFFF, v17;
	v17 =	vand.u32 $0x10000, v17;
	v28 =	vld [tilespmem:s19+$0x20]  }
0xdd: {  	v23 =	vadd.s32 v1, v23;
	v29 =	vand.u32 $0xFFFF, v20;
	v20 =	vand.u32 $0x10000, v20;
	[tilespmem:v18+s2+$0x0] =	vst.idx.add.s32.msk $0xffff, v12  }
0xde: {  	v12 =	vadd.s32 v1, v25;
	v18 =	vand.u32 $0xFFFF, v22;
	v22 =	vand.u32 $0x10000, v22;
	v25 =	vld [tilespmem:s19+$0x30]  }
0xdf: {  	v27 =	vadd.s32 v1, v27;
	v30 =	vand.u32 $0xFFFF, v24;
	v24 =	vand.u32 $0x10000, v24;
	v31 =	vld [tilespmem:s19+$0x40]  }
0xe0: {  	v29 =	vadd.s32 v1, v29;
	v32 =	vand.u32 $0xFFFF, v26;
	v26 =	vand.u32 $0x10000, v26;
	v33 =	vld [tilespmem:s19+$0x50]  }
0xe1: {  	v18 =	vadd.s32 v1, v18;
	v34 =	vand.u32 $0xFFFF, v28;
	v28 =	vand.u32 $0x10000, v28;
	v35 =	vld [tilespmem:s19+$0x60]  }
0xe2: {  	v30 =	vadd.s32 v1, v30;
	v32 =	vadd.s32 v1, v32;
	v36 =	vld [tilespmem:s19+$0xFFFFFF80];
	v34 =	vadd.s32 v1, v34  }
0xe3: {  	v13 =	vor.u32 $0x1, v13;
	v37 =	vand.u32 $0xFFFF, v25;
	v25 =	vand.u32 $0x10000, v25;
	[tilespmem:v2+s2+$0x0] =	vst.idx.add.s32.msk $0xffff, v11;
	v2 =	vmovc v34  }
0xe4: {  	[tilespmem:v19+s2+$0x0] =	vst.idx.add.s32.msk $0xffff, v13;
	v11 =	vadd.s32 v1, v37;
	v13 =	vand.u32 $0xFFFF, v31;
	v19 =	vand.u32 $0x10000, v31  }
0xe5: {  	v13 =	vadd.s32 v1, v13;
	v31 =	vand.u32 $0xFFFF, v33;
	v33 =	vand.u32 $0x10000, v33;
	[tilespmem:v3+s2+$0x0] =	vst.idx.add.s32.msk $0xffff, v10;
	v3 =	vmovc v11  }
0xe6: {  	v10 =	vadd.s32 v1, v31;
	v11 =	vand.u32 $0xFFFF, v35;
	v31 =	vand.u32 $0x10000, v35;
	[tilespmem:v4+s2+$0x0] =	vst.idx.add.s32.msk $0xffff, v9;
	v4 =	vmovc v13  }
0xe7: {  	v9 =	vand.u32 $0xFFFF, v36;
	v13 =	vand.u32 $0x10000, v36;
	v11 =	vadd.s32 v1, v11;
	[tilespmem:v5+s2+$0x0] =	vst.idx.add.s32.msk $0xffff, v8;
	v5 =	vmovc v10  }
0xe8: {  	v8 =	vor.u32 $0x1, v14;
	v13 =	vor.u32 $0x1, v13;
	v34 =	vadd.s32 v1, v9;
	[tilespmem:v6+s2+$0x0] =	vst.idx.add.s32.msk $0xffff, v7;
	v6 =	vmovc v11  }
0xe9: {  	v7 =	vor.u32 $0x1, v15;
	v9 =	vor.u32 $0x1, v17;
	[tilespmem:v21+s2+$0x0] =	vst.idx.add.s32.msk $0xffff, v8;
	v8 =	vor.u32 $0x1, v16  }
0xea: {  	v14 =	vor.u32 $0x1, v20;
	v15 =	vor.u32 $0x1, v22;
	v16 =	vor.u32 $0x1, v24;
	[tilespmem:v23+s2+$0x0] =	vst.idx.add.s32.msk $0xffff, v7  }
0xeb: {  	v10 =	vor.u32 $0x1, v25;
	v11 =	vor.u32 $0x1, v28;
	[tilespmem:v12+s2+$0x0] =	vst.idx.add.s32.msk $0xffff, v8;
	v12 =	vor.u32 $0x1, v26  }
0xec: {  	v7 =	vor.u32 $0x1, v31;
	v8 =	vor.u32 $0x1, v33;
	[tilespmem:v27+s2+$0x0] =	vst.idx.add.s32.msk $0xffff, v9;
	v9 =	vor.u32 $0x1, v19  }
.Ltmp3:
0xed: {  	[tilespmem:v34+s2+$0x0] =	vst.idx.add.s32.msk $0xffff, v13;
	(pc) =	sbr.rel @p0 .LBB2_8-.Ltmp3, $4  }
0xee: {  	[tilespmem:v29+s2+$0x0] =	vst.idx.add.s32.msk $0xffff, v14  }
0xef: {  	[tilespmem:v18+s2+$0x0] =	vst.idx.add.s32.msk $0xffff, v15  }
0xf0: {  	[tilespmem:v30+s2+$0x0] =	vst.idx.add.s32.msk $0xffff, v16  }
0xf1: {  	s19 =	sadd.s32 $0x100, s19;
	[tilespmem:v32+s2+$0x0] =	vst.idx.add.s32.msk $0xffff, v12  }
0xf2: {  	_ =	sdelay $0x3  }
0xf3: {  	[tilespmem:v2+s2+$0x0] =	vst.idx.add.s32.msk $0xffff, v11  }
0xf4: {  	[tilespmem:v3+s2+$0x0] =	vst.idx.add.s32.msk $0xffff, v10  }
0xf5: {  	[tilespmem:v4+s2+$0x0] =	vst.idx.add.s32.msk $0xffff, v9  }
0xf6: {  	[tilespmem:v5+s2+$0x0] =	vst.idx.add.s32.msk $0xffff, v8  }
0xf7: {  	[tilespmem:v6+s2+$0x0] =	vst.idx.add.s32.msk $0xffff, v7  }
0xf8: {  	_ =	swait.ge [sflag:s13], $0x4000  }
0xf9: {  	[sflag:s13] =	ssyncset.done $0x0  }
0xfa: {  	s18 =	simm.s32 $0x8080;
	[sflag:s13] =	ssyncadd.s32 $0xFFFFC000  }
0xfb: {  	v2 =	vld [tilespmem:s18+$0x70]  }
0xfc: {  	v3 =	vld [tilespmem:s18+$0xFFFFFF90]  }
0xfd: {  	v4 =	vld [tilespmem:s18+$0xFFFFFFA0]  }
0xfe: {  	v5 =	vld [tilespmem:s18+$0xFFFFFFB0]  }
0xff: {  	v6 =	vld [tilespmem:s18+$0xFFFFFFC0]  }
0x100: {  	v7 =	vld [tilespmem:s18+$0xFFFFFFD0]  }
0x101: {  	v10 =	vld [tilespmem:s18+$0xFFFFFFE0]  }
0x102: {  	v14 =	vld [tilespmem:s18+$0x0]  }
0x103: {  	v16 =	vld [tilespmem:s18+$0x10];
	v8 =	vand.u32 $0xFFFF, v2  }
0x104: {  	v20 =	vld [tilespmem:s18+$0xFFFFFF80];
	v9 =	vand.u32 $0xFFFF, v3;
	v3 =	vand.u32 $0x10000, v3;
	v11 =	vand.u32 $0xFFFF, v4  }
0x105: {  	v26 =	vld [tilespmem:s18+$0x60];
	v4 =	vand.u32 $0x10000, v4;
	v13 =	vand.u32 $0xFFFF, v5;
	v5 =	vand.u32 $0x10000, v5  }
0x106: {  	v15 =	vand.u32 $0xFFFF, v6;
	v6 =	vand.u32 $0x10000, v6;
	v2 =	vand.u32 $0x10000, v2  }
0x107: {  	v17 =	vand.u32 $0xFFFF, v7;
	v7 =	vand.u32 $0x10000, v7;
	v19 =	vand.u32 $0xFFFF, v10  }
0x108: {  	v10 =	vand.u32 $0x10000, v10;
	v21 =	vand.u32 $0xFFFF, v14;
	v14 =	vand.u32 $0x10000, v14  }
0x109: {  	v12 =	vld [tilespmem:s18+$0xFFFFFFF0];
	v23 =	vand.u32 $0xFFFF, v16;
	v16 =	vand.u32 $0x10000, v16;
	v8 =	vadd.s32 v1, v8  }
0x10a: {  	v18 =	vld [tilespmem:s18+$0x20];
	v27 =	vand.u32 $0xFFFF, v20;
	v61 =	vand.u32 $0x10000, v26;
	v9 =	vadd.s32 v1, v9  }
0x10b: {  	v60 =	vld [tilespmem:s18+$0x30];
	v11 =	vadd.s32 v1, v11;
	v2 =	vor.u32 $0x1, v2;
	v13 =	vadd.s32 v1, v13  }
0x10c: {  	v22 =	vld [tilespmem:s18+$0x40];
	v17 =	vadd.s32 v1, v17;
	v19 =	vadd.s32 v1, v19;
	v21 =	vadd.s32 v1, v21  }
0x10d: {  	s21 =	simm.s32 $0x0;
	v24 =	vld [tilespmem:s18+$0x50];
	v3 =	vor.u32 $0x1, v3;
	v23 =	vadd.s32 v1, v23;
	v5 =	vor.u32 $0x1, v5  }
0x10e: {  	v7 =	vor.u32 $0x1, v7;
	v10 =	vor.u32 $0x1, v10;
	v62 =	vor.u32 $0x1, v14;
	[tilespmem:v8+s21+$0x0] =	vst.idx.add.s32.msk $0xffff, v2  }
0x10f: {  	v63 =	vor.u32 $0x1, v16;
	v8 =	vadd.s32 v1, v15;
	v2 =	vand.u32 $0xFFFF, v12;
	[tilespmem:v9+s21+$0x0] =	vst.idx.add.s32.msk $0xffff, v3  }
0x110: {  	v12 =	vand.u32 $0x10000, v12;
	v9 =	vadd.s32 v1, v27;
	v3 =	vor.u32 $0x1, v4;
	[tilespmem:v13+s21+$0x0] =	vst.idx.add.s32.msk $0xffff, v5  }
0x111: {  	v4 =	vand.u32 $0xFFFF, v60;
	v15 =	vand.u32 $0x10000, v60;
	v5 =	vand.u32 $0xFFFF, v22;
	[tilespmem:v17+s21+$0x0] =	vst.idx.add.s32.msk $0xffff, v7  }
0x112: {  	v7 =	vand.u32 $0x10000, v24;
	[tilespmem:v19+s21+$0x0] =	vst.idx.add.s32.msk $0xffff, v10;
	v25 =	vadd.s32 v1, v2;
	v2 =	vand.u32 $0xFFFF, v18  }
0x113: {  	v18 =	vand.u32 $0x10000, v18;
	[tilespmem:v11+s21+$0x0] =	vst.idx.add.s32.msk $0xffff, v3;
	v3 =	vadd.s32 v1, v4;
	v4 =	vor.u32 $0x1, v6  }
0x114: {  	[tilespmem:v21+s21+$0x0] =	vst.idx.add.s32.msk $0xffff, v62;
	v6 =	vand.u32 $0x10000, v20;
	v10 =	vor.u32 $0x1, v15;
	v2 =	vadd.s32 v1, v2  }
0x115: {  	[tilespmem:v8+s21+$0x0] =	vst.idx.add.s32.msk $0xffff, v4;
	v4 =	vadd.s32 v1, v5;
	v5 =	vor.u32 $0x1, v6;
	v6 =	vand.u32 $0xFFFF, v24  }
0x116: {  	v11 =	vor.u32 $0x1, v18;
	[tilespmem:v9+s21+$0x0] =	vst.idx.add.s32.msk $0xffff, v5;
	v5 =	vadd.s32 v1, v6;
	v6 =	vand.u32 $0xFFFF, v26  }
0x117: {  	s22 =	simm.s32 $0x0;
	s20 =	simm.s32 $0x2010;
	s19 =	simm.s32 $0xC420;
	[tilespmem:v23+s21+$0x0] =	vst.idx.add.s32.msk $0xffff, v63;
	v8 =	vand.u32 $0x10000, v22;
	v9 =	vor.u32 $0x1, v12;
	v6 =	vadd.s32 v1, v6  }
0x118: {  	s24 =	simm.s32 $0x8180;
	s23 =	simm.s32 $0x0;
	s18 =	simm.s32 $0xC020;
	[tilespmem:v25+s21+$0x0] =	vst.idx.add.s32.msk $0xffff, v9;
	v9 =	vor.u32 $0x1, v8;
	v8 =	vor.u32 $0x1, v7;
	v7 =	vor.u32 $0x1, v61  }
.LBB2_10:
0x119: {  	v12 =	vld [tilespmem:s24+$0x70];
	s22 =	sadd.s32 $0x10, s22  }
0x11a: {  	v13 =	vld [tilespmem:s24+$0xFFFFFF90];
	p0 =	slt.u32 s22, $0x3F0  }
0x11b: {  	v14 =	vld [tilespmem:s24+$0xFFFFFFA0]  }
0x11c: {  	v15 =	vld [tilespmem:s24+$0xFFFFFFB0]  }
0x11d: {  	v16 =	vld [tilespmem:s24+$0xFFFFFFC0]  }
0x11e: {  	v17 =	vld [tilespmem:s24+$0xFFFFFFD0];
	v18 =	vand.u32 $0xFFFF, v12  }
0x11f: {  	v19 =	vand.u32 $0xFFFF, v13;
	v13 =	vand.u32 $0x10000, v13;
	v20 =	vld [tilespmem:s24+$0xFFFFFFE0];
	v18 =	vadd.s32 v1, v18  }
0x120: {  	v19 =	vadd.s32 v1, v19;
	v21 =	vand.u32 $0xFFFF, v14;
	v14 =	vand.u32 $0x10000, v14;
	v22 =	vld [tilespmem:s24+$0xFFFFFFF0]  }
0x121: {  	v21 =	vadd.s32 v1, v21;
	v23 =	vand.u32 $0xFFFF, v15;
	v15 =	vand.u32 $0x10000, v15;
	v24 =	vld [tilespmem:s24+$0x0]  }
0x122: {  	v12 =	vand.u32 $0x10000, v12;
	v25 =	vand.u32 $0xFFFF, v16;
	v16 =	vand.u32 $0x10000, v16;
	v26 =	vld [tilespmem:s24+$0x10]  }
0x123: {  	v12 =	vor.u32 $0x1, v12;
	v27 =	vand.u32 $0xFFFF, v17;
	v17 =	vand.u32 $0x10000, v17;
	v28 =	vld [tilespmem:s24+$0x20]  }
0x124: {  	v23 =	vadd.s32 v1, v23;
	v29 =	vand.u32 $0xFFFF, v20;
	v20 =	vand.u32 $0x10000, v20;
	[tilespmem:v18+s21+$0x0] =	vst.idx.add.s32.msk $0xffff, v12  }
0x125: {  	v12 =	vadd.s32 v1, v25;
	v18 =	vand.u32 $0xFFFF, v22;
	v22 =	vand.u32 $0x10000, v22;
	v25 =	vld [tilespmem:s24+$0x30]  }
0x126: {  	v27 =	vadd.s32 v1, v27;
	v30 =	vand.u32 $0xFFFF, v24;
	v24 =	vand.u32 $0x10000, v24;
	v31 =	vld [tilespmem:s24+$0x40]  }
0x127: {  	v29 =	vadd.s32 v1, v29;
	v32 =	vand.u32 $0xFFFF, v26;
	v26 =	vand.u32 $0x10000, v26;
	v33 =	vld [tilespmem:s24+$0x50]  }
0x128: {  	v18 =	vadd.s32 v1, v18;
	v34 =	vand.u32 $0xFFFF, v28;
	v28 =	vand.u32 $0x10000, v28;
	v35 =	vld [tilespmem:s24+$0x60]  }
0x129: {  	v30 =	vadd.s32 v1, v30;
	v32 =	vadd.s32 v1, v32;
	v36 =	vld [tilespmem:s24+$0xFFFFFF80];
	v34 =	vadd.s32 v1, v34  }
0x12a: {  	v13 =	vor.u32 $0x1, v13;
	v37 =	vand.u32 $0xFFFF, v25;
	v25 =	vand.u32 $0x10000, v25;
	[tilespmem:v2+s23+$0x0] =	vst.idx.add.s32.msk $0xffff, v11;
	v2 =	vmovc v34  }
0x12b: {  	[tilespmem:v19+s21+$0x0] =	vst.idx.add.s32.msk $0xffff, v13;
	v11 =	vadd.s32 v1, v37;
	v13 =	vand.u32 $0xFFFF, v31;
	v19 =	vand.u32 $0x10000, v31  }
0x12c: {  	v13 =	vadd.s32 v1, v13;
	v31 =	vand.u32 $0xFFFF, v33;
	v33 =	vand.u32 $0x10000, v33;
	[tilespmem:v3+s23+$0x0] =	vst.idx.add.s32.msk $0xffff, v10;
	v3 =	vmovc v11  }
0x12d: {  	v10 =	vadd.s32 v1, v31;
	v11 =	vand.u32 $0xFFFF, v35;
	v31 =	vand.u32 $0x10000, v35;
	[tilespmem:v4+s23+$0x0] =	vst.idx.add.s32.msk $0xffff, v9;
	v4 =	vmovc v13  }
0x12e: {  	v9 =	vand.u32 $0xFFFF, v36;
	v13 =	vand.u32 $0x10000, v36;
	v11 =	vadd.s32 v1, v11;
	[tilespmem:v5+s23+$0x0] =	vst.idx.add.s32.msk $0xffff, v8;
	v5 =	vmovc v10  }
0x12f: {  	v8 =	vor.u32 $0x1, v14;
	v13 =	vor.u32 $0x1, v13;
	v34 =	vadd.s32 v1, v9;
	[tilespmem:v6+s23+$0x0] =	vst.idx.add.s32.msk $0xffff, v7;
	v6 =	vmovc v11;
	s23 =	smov.u32 s21  }
0x130: {  	v7 =	vor.u32 $0x1, v15;
	v9 =	vor.u32 $0x1, v17;
	[tilespmem:v21+s23+$0x0] =	vst.idx.add.s32.msk $0xffff, v8;
	v8 =	vor.u32 $0x1, v16  }
0x131: {  	v14 =	vor.u32 $0x1, v20;
	v15 =	vor.u32 $0x1, v22;
	v16 =	vor.u32 $0x1, v24;
	[tilespmem:v23+s23+$0x0] =	vst.idx.add.s32.msk $0xffff, v7  }
0x132: {  	v10 =	vor.u32 $0x1, v25;
	v11 =	vor.u32 $0x1, v28;
	[tilespmem:v12+s23+$0x0] =	vst.idx.add.s32.msk $0xffff, v8;
	v12 =	vor.u32 $0x1, v26  }
0x133: {  	v7 =	vor.u32 $0x1, v31;
	v8 =	vor.u32 $0x1, v33;
	[tilespmem:v27+s23+$0x0] =	vst.idx.add.s32.msk $0xffff, v9;
	v9 =	vor.u32 $0x1, v19  }
.Ltmp4:
0x134: {  	[tilespmem:v34+s23+$0x0] =	vst.idx.add.s32.msk $0xffff, v13;
	(pc) =	sbr.rel @p0 .LBB2_10-.Ltmp4, $4  }
0x135: {  	[tilespmem:v29+s23+$0x0] =	vst.idx.add.s32.msk $0xffff, v14  }
0x136: {  	[tilespmem:v18+s23+$0x0] =	vst.idx.add.s32.msk $0xffff, v15  }
0x137: {  	[tilespmem:v30+s23+$0x0] =	vst.idx.add.s32.msk $0xffff, v16  }
0x138: {  	s24 =	sadd.s32 $0x100, s24;
	[tilespmem:v32+s23+$0x0] =	vst.idx.add.s32.msk $0xffff, v12  }
0x139: {  	_ =	sdelay $0x3  }
0x13a: {  	[tilespmem:v2+s23+$0x0] =	vst.idx.add.s32.msk $0xffff, v11  }
0x13b: {  	[tilespmem:v3+s23+$0x0] =	vst.idx.add.s32.msk $0xffff, v10  }
0x13c: {  	[tilespmem:v4+s23+$0x0] =	vst.idx.add.s32.msk $0xffff, v9  }
0x13d: {  	[tilespmem:v5+s23+$0x0] =	vst.idx.add.s32.msk $0xffff, v8  }
0x13e: {  	[tilespmem:v6+s23+$0x0] =	vst.idx.add.s32.msk $0xffff, v7  }
0x13f: {  	s21 =	sand.u32 $0x3C0, s21;
	v2 =	vld [tilespmem:s20+$0xFFFFDFF0]  }
0x140: {  	v4 =	vld [tilespmem:s21+$0x3C00]  }
0x141: {  	v3 =	vld [tilespmem:s21+$0x3800]  }
0x142: {  	v5 =	vld [tilespmem:s21+$0x3400]  }
0x143: {  	v6 =	vld [tilespmem:s21+$0x3000]  }
0x144: {  	v7 =	vld [tilespmem:s21+$0x2C00]  }
0x145: {  	v8 =	vld [tilespmem:s21+$0x2800]  }
0x146: {  	v9 =	vld [tilespmem:s21+$0x2400]  }
0x147: {  	v10 =	vld [tilespmem:s21+$0x2000]  }
0x148: {  	v11 =	vld [tilespmem:s21+$0x1C00]  }
0x149: {  	v12 =	vld [tilespmem:s21+$0x1800]  }
0x14a: {  	v13 =	vld [tilespmem:s21+$0x1400]  }
0x14b: {  	v14 =	vld [tilespmem:s21+$0x1000]  }
0x14c: {  	v15 =	vld [tilespmem:s21+$0xC00]  }
0x14d: {  	v17 =	vld [tilespmem:s21+$0x400];
	v16 =	vand.u32 $0xFFFF, v2  }
0x14e: {  	v18 =	vld [tilespmem:s21+$0x800];
	v2 =	vshra.s32 v2, $0x10;
	v19 =	vand.u32 $0xFFFF, v3;
	v20 =	vand.u32 $0xFFFF, v4  }
0x14f: {  	v21 =	vand.u32 $0xFFFF, v7;
	v22 =	vand.u32 $0xFFFF, v6;
	v23 =	vand.u32 $0xFFFF, v5  }
0x150: {  	v24 =	vand.u32 $0xFFFF, v10;
	v25 =	vand.u32 $0xFFFF, v9;
	v26 =	vand.u32 $0xFFFF, v8  }
0x151: {  	v27 =	vand.u32 $0xFFFF, v13;
	v28 =	vand.u32 $0xFFFF, v12;
	v29 =	vand.u32 $0xFFFF, v11  }
0x152: {  	v30 =	vand.u32 $0xFFFF, v17;
	v31 =	vand.u32 $0xFFFF, v15;
	v32 =	vand.u32 $0xFFFF, v14  }
0x153: {  	v17 =	vshra.s32 v17, $0x10;
	v60 =	vand.u32 $0xFFFF, v18;
	v15 =	vshra.s32 v15, $0x10  }
0x154: {  	v16 =	vadd.s32 v16, v30;
	v2 =	vadd.s32 v2, v17;
	v17 =	vshra.s32 v18, $0x10  }
0x155: {  	v14 =	vshra.s32 v14, $0x10;
	v16 =	vadd.s32 v60, v16;
	v2 =	vadd.s32 v17, v2  }
0x156: {  	v13 =	vshra.s32 v13, $0x10;
	v16 =	vadd.s32 v31, v16;
	v2 =	vadd.s32 v15, v2  }
0x157: {  	v12 =	vshra.s32 v12, $0x10;
	v15 =	vadd.s32 v32, v16;
	v2 =	vadd.s32 v14, v2  }
0x158: {  	v11 =	vshra.s32 v11, $0x10;
	v14 =	vadd.s32 v27, v15;
	v2 =	vadd.s32 v13, v2  }
0x159: {  	v10 =	vshra.s32 v10, $0x10;
	v13 =	vadd.s32 v28, v14;
	v2 =	vadd.s32 v12, v2  }
0x15a: {  	v9 =	vshra.s32 v9, $0x10;
	v12 =	vadd.s32 v29, v13;
	v2 =	vadd.s32 v11, v2  }
0x15b: {  	v8 =	vshra.s32 v8, $0x10;
	v11 =	vadd.s32 v24, v12;
	v2 =	vadd.s32 v10, v2  }
0x15c: {  	v7 =	vshra.s32 v7, $0x10;
	v12 =	vld [tilespmem:s20+$0xFFFFE000];
	v10 =	vadd.s32 v25, v11;
	v2 =	vadd.s32 v9, v2  }
0x15d: {  	v6 =	vshra.s32 v6, $0x10;
	v11 =	vld [tilespmem:s20+$0xFFFFE400];
	v9 =	vadd.s32 v26, v10;
	v2 =	vadd.s32 v8, v2  }
0x15e: {  	v5 =	vshra.s32 v5, $0x10;
	v10 =	vld [tilespmem:s20+$0xFFFFE010];
	v8 =	vadd.s32 v21, v9;
	v2 =	vadd.s32 v7, v2  }
0x15f: {  	v3 =	vshra.s32 v3, $0x10;
	v9 =	vld [tilespmem:s20+$0xFFFFE410];
	v7 =	vadd.s32 v22, v8;
	v2 =	vadd.s32 v6, v2  }
0x160: {  	v4 =	vshra.s32 v4, $0x10;
	v8 =	vld [tilespmem:s20+$0xFFFFE020];
	v6 =	vadd.s32 v23, v7;
	v2 =	vadd.s32 v5, v2  }
0x161: {  	v7 =	vld [tilespmem:s20+$0xFFFFE420];
	v5 =	vadd.s32 v19, v6;
	v2 =	vadd.s32 v3, v2;
	v6 =	vshra.s32 v12, $0x10  }
0x162: {  	v15 =	vld [tilespmem:s20+$0xFFFFE820];
	v13 =	vand.u32 $0xFFFF, v11;
	v11 =	vshra.s32 v11, $0x10;
	v3 =	vadd.s32 v20, v5  }
0x163: {  	v5 =	vld [tilespmem:s20+$0xFFFFE800];
	v2 =	vadd.s32 v4, v2;
	v4 =	vand.u32 $0xFFFF, v12;
	v14 =	vand.u32 $0xFFFF, v10  }
0x164: {  	v12 =	vld [tilespmem:s20+$0xFFFFE810];
	v10 =	vshra.s32 v10, $0x10;
	v6 =	vadd.s32 v6, v11;
	v16 =	vand.u32 $0xFFFF, v9  }
0x165: {  	v9 =	vshra.s32 v9, $0x10;
	v4 =	vadd.s32 v4, v13;
	v17 =	vand.u32 $0xFFFF, v8  }
0x166: {  	v19 =	vld [tilespmem:s20+$0xFFFFEC00];
	v8 =	vshra.s32 v8, $0x10;
	v13 =	vadd.s32 v14, v16;
	v18 =	vand.u32 $0xFFFF, v7  }
0x167: {  	v11 =	vld [tilespmem:s20+$0xFFFFEC10];
	v9 =	vadd.s32 v10, v9;
	v7 =	vshra.s32 v7, $0x10;
	v10 =	vadd.s32 v17, v18  }
0x168: {  	v14 =	vld [tilespmem:s20+$0xFFFFEC20];
	v7 =	vadd.s32 v8, v7;
	v17 =	vand.u32 $0xFFFF, v15;
	v16 =	vand.u32 $0xFFFF, v5  }
0x169: {  	v5 =	vshra.s32 v5, $0x10;
	v8 =	vand.u32 $0xFFFF, v12;
	v12 =	vshra.s32 v12, $0x10  }
0x16a: {  	v10 =	vadd.s32 v17, v10;
	v4 =	vadd.s32 v16, v4;
	v5 =	vadd.s32 v5, v6  }
0x16b: {  	v18 =	vld [tilespmem:s20+$0xFFFFF000];
	v6 =	vshra.s32 v15, $0x10;
	v8 =	vadd.s32 v8, v13;
	v9 =	vadd.s32 v12, v9  }
0x16c: {  	v15 =	vld [tilespmem:s20+$0xFFFFF010];
	v13 =	vand.u32 $0xFFFF, v19;
	v16 =	vshra.s32 v19, $0x10;
	v6 =	vadd.s32 v6, v7  }
0x16d: {  	v12 =	vld [tilespmem:s20+$0xFFFFF020];
	v7 =	vand.u32 $0xFFFF, v11;
	v11 =	vshra.s32 v11, $0x10;
	v17 =	vand.u32 $0xFFFF, v14  }
0x16e: {  	v19 =	vld [tilespmem:s20+$0xFFFFF400];
	v4 =	vadd.s32 v13, v4;
	v5 =	vadd.s32 v16, v5;
	v13 =	vshra.s32 v14, $0x10  }
0x16f: {  	v7 =	vadd.s32 v7, v8;
	v8 =	vadd.s32 v11, v9;
	v9 =	vadd.s32 v17, v10  }
0x170: {  	v14 =	vld [tilespmem:s20+$0xFFFFF410];
	v6 =	vadd.s32 v13, v6;
	v11 =	vand.u32 $0xFFFF, v18;
	v16 =	vshra.s32 v18, $0x10  }
0x171: {  	v10 =	vld [tilespmem:s20+$0xFFFFF420];
	v4 =	vadd.s32 v11, v4;
	v5 =	vadd.s32 v16, v5;
	v13 =	vand.u32 $0xFFFF, v15  }
0x172: {  	v15 =	vshra.s32 v15, $0x10;
	v17 =	vand.u32 $0xFFFF, v12;
	v11 =	vshra.s32 v12, $0x10  }
0x173: {  	v18 =	vld [tilespmem:s20+$0xFFFFF800];
	v16 =	vshra.s32 v19, $0x10;
	v7 =	vadd.s32 v13, v7;
	v8 =	vadd.s32 v15, v8  }
0x174: {  	v12 =	vld [tilespmem:s20+$0xFFFFF810];
	v9 =	vadd.s32 v17, v9;
	v15 =	vand.u32 $0xFFFF, v19;
	v6 =	vadd.s32 v11, v6  }
0x175: {  	v13 =	vld [tilespmem:s20+$0xFFFFF820];
	v11 =	vand.u32 $0xFFFF, v14;
	v14 =	vshra.s32 v14, $0x10;
	v5 =	vadd.s32 v16, v5  }
0x176: {  	v19 =	vld [tilespmem:s20+$0xFFFFFC00];
	v17 =	vand.u32 $0xFFFF, v10;
	v4 =	vadd.s32 v15, v4;
	v10 =	vshra.s32 v10, $0x10  }
0x177: {  	v15 =	vld [tilespmem:s20+$0xFFFFFC10];
	v7 =	vadd.s32 v11, v7;
	v8 =	vadd.s32 v14, v8;
	v9 =	vadd.s32 v17, v9  }
0x178: {  	v11 =	vld [tilespmem:s20+$0xFFFFFC20];
	v14 =	vand.u32 $0xFFFF, v18;
	v16 =	vshra.s32 v18, $0x10;
	v6 =	vadd.s32 v10, v6  }
0x179: {  	v4 =	vadd.s32 v14, v4;
	v5 =	vadd.s32 v16, v5;
	v10 =	vand.u32 $0xFFFF, v12  }
0x17a: {  	v21 =	vld [tilespmem:s20+$0x820];
	v12 =	vshra.s32 v12, $0x10;
	v17 =	vand.u32 $0xFFFF, v13;
	v13 =	vshra.s32 v13, $0x10  }
0x17b: {  	v18 =	vld [tilespmem:s20+$0x0];
	v7 =	vadd.s32 v10, v7;
	v8 =	vadd.s32 v12, v8;
	v12 =	vand.u32 $0xFFFF, v19  }
0x17c: {  	v14 =	vld [tilespmem:s20+$0x10];
	v16 =	vshra.s32 v19, $0x10;
	v9 =	vadd.s32 v17, v9;
	v6 =	vadd.s32 v13, v6  }
0x17d: {  	v10 =	vld [tilespmem:s20+$0x20];
	v17 =	vand.u32 $0xFFFF, v15;
	v15 =	vshra.s32 v15, $0x10;
	v19 =	vand.u32 $0xFFFF, v11  }
0x17e: {  	v20 =	vld [tilespmem:s20+$0x410];
	v4 =	vadd.s32 v12, v4;
	v5 =	vadd.s32 v16, v5;
	v11 =	vshra.s32 v11, $0x10  }
0x17f: {  	v13 =	vld [tilespmem:s20+$0x400];
	v7 =	vadd.s32 v17, v7;
	v8 =	vadd.s32 v15, v8;
	v9 =	vadd.s32 v19, v9  }
0x180: {  	v12 =	vld [tilespmem:s20+$0x420];
	v16 =	vand.u32 $0xFFFF, v18;
	v17 =	vshra.s32 v18, $0x10;
	v6 =	vadd.s32 v11, v6  }
0x181: {  	v22 =	vld [tilespmem:s20+$0x1000];
	v11 =	vand.u32 $0xFFFF, v14;
	v14 =	vshra.s32 v14, $0x10;
	v4 =	vadd.s32 v16, v4  }
0x182: {  	v23 =	vld [tilespmem:s20+$0x1010];
	v5 =	vadd.s32 v17, v5;
	v7 =	vadd.s32 v11, v7;
	v19 =	vand.u32 $0xFFFF, v10  }
0x183: {  	v15 =	vld [tilespmem:s20+$0x800];
	v8 =	vadd.s32 v14, v8;
	v10 =	vshra.s32 v10, $0x10;
	v9 =	vadd.s32 v19, v9  }
0x184: {  	v18 =	vld [tilespmem:s20+$0x810];
	v11 =	vand.u32 $0xFFFF, v13;
	v13 =	vshra.s32 v13, $0x10;
	v6 =	vadd.s32 v10, v6  }
0x185: {  	[tilespmem:s18+$0xFFFFFFE0] =	vst v3;
	v3 =	vld [tilespmem:s20+$0x1C10];
	v10 =	vand.u32 $0xFFFF, v20;
	v19 =	vshra.s32 v20, $0x10;
	v20 =	vand.u32 $0xFFFF, v12  }
0x186: {  	v16 =	vld [tilespmem:s20+$0xC00];
	v12 =	vshra.s32 v12, $0x10;
	v4 =	vadd.s32 v11, v4;
	v5 =	vadd.s32 v13, v5  }
0x187: {  	v17 =	vld [tilespmem:s20+$0xC20];
	v7 =	vadd.s32 v10, v7;
	v13 =	vadd.s32 v19, v8;
	v19 =	vadd.s32 v20, v9  }
0x188: {  	v14 =	vld [tilespmem:s20+$0xC10];
	v10 =	vand.u32 $0xFFFF, v15;
	v15 =	vshra.s32 v15, $0x10;
	v6 =	vadd.s32 v12, v6  }
0x189: {  	[tilespmem:s19+$0xFFFFFFE0] =	vst v2;
	v2 =	vld [tilespmem:s20+$0x1C20];
	v12 =	vand.u32 $0xFFFF, v18;
	v18 =	vshra.s32 v18, $0x10;
	v20 =	vand.u32 $0xFFFF, v21  }
0x18a: {  	v11 =	vld [tilespmem:s20+$0x1020];
	v61 =	vadd.s32 v10, v4;
	v5 =	vadd.s32 v15, v5;
	v15 =	vshra.s32 v21, $0x10  }
0x18b: {  	v8 =	vld [tilespmem:s20+$0x1400];
	v12 =	vadd.s32 v12, v7;
	v18 =	vadd.s32 v18, v13;
	v19 =	vadd.s32 v20, v19  }
0x18c: {  	v9 =	vld [tilespmem:s20+$0x1410];
	v13 =	vand.u32 $0xFFFF, v16;
	v16 =	vshra.s32 v16, $0x10;
	v62 =	vand.u32 $0xFFFF, v17  }
0x18d: {  	v10 =	vld [tilespmem:s20+$0x1420];
	v63 =	vshra.s32 v17, $0x10;
	v20 =	vadd.s32 v15, v6;
	v15 =	vand.u32 $0xFFFF, v14  }
0x18e: {  	v4 =	vld [tilespmem:s20+$0x1800];
	v21 =	vshra.s32 v14, $0x10;
	v13 =	vadd.s32 v13, v61;
	v14 =	vadd.s32 v16, v5  }
0x18f: {  	v7 =	vld [tilespmem:s20+$0x1810];
	v17 =	vadd.s32 v62, v19;
	v19 =	vand.u32 $0xFFFF, v22;
	v15 =	vadd.s32 v15, v12  }
0x190: {  	v6 =	vld [tilespmem:s20+$0x1820];
	v16 =	vadd.s32 v21, v18;
	v12 =	vshra.s32 v22, $0x10;
	v18 =	vadd.s32 v63, v20  }
0x191: {  	s22 =	simm.s32 $0x40;
	s21 =	simm.s32 $0x0;
	v5 =	vld [tilespmem:s20+$0x1C00];
	s20 =	simm.s32 $0x2050;
	v20 =	vand.u32 $0xFFFF, v23;
	v21 =	vshra.s32 v23, $0x10;
	v22 =	vand.u32 $0xFFFF, v11  }
.LBB2_12:
0x192: {  	v23 =	vld [tilespmem:s20+$0xFFFFDFF0];
	s23 =	sand.u32 $0x3C0, s22;
	v13 =	vadd.s32 v19, v13;
	v14 =	vadd.s32 v12, v14;
	v19 =	vshra.s32 v11, $0x10  }
0x193: {  	v15 =	vadd.s32 v20, v15;
	v16 =	vadd.s32 v21, v16;
	v17 =	vadd.s32 v22, v17;
	v11 =	vld [tilespmem:s23+$0x3C00]  }
0x194: {  	v20 =	vand.u32 $0xFFFF, v8;
	v21 =	vshra.s32 v8, $0x10;
	v18 =	vadd.s32 v19, v18;
	v12 =	vld [tilespmem:s23+$0x3800]  }
0x195: {  	v22 =	vshra.s32 v9, $0x10;
	v24 =	vand.u32 $0xFFFF, v10;
	v19 =	vand.u32 $0xFFFF, v9;
	v8 =	vld [tilespmem:s23+$0x3400]  }
0x196: {  	v13 =	vadd.s32 v20, v13;
	v14 =	vadd.s32 v21, v14;
	v20 =	vshra.s32 v10, $0x10;
	v9 =	vld [tilespmem:s23+$0x3000]  }
0x197: {  	v16 =	vadd.s32 v22, v16;
	v17 =	vadd.s32 v24, v17;
	v15 =	vadd.s32 v19, v15;
	v10 =	vld [tilespmem:s23+$0x2C00]  }
0x198: {  	v21 =	vand.u32 $0xFFFF, v4;
	v4 =	vshra.s32 v4, $0x10;
	v18 =	vadd.s32 v20, v18;
	v19 =	vld [tilespmem:s23+$0x2800]  }
0x199: {  	v22 =	vand.u32 $0xFFFF, v7;
	v7 =	vshra.s32 v7, $0x10;
	v24 =	vand.u32 $0xFFFF, v6;
	v20 =	vld [tilespmem:s23+$0x2400]  }
0x19a: {  	v6 =	vshra.s32 v6, $0x10;
	v13 =	vadd.s32 v21, v13;
	v4 =	vadd.s32 v4, v14;
	v25 =	vld [tilespmem:s23+$0x2000]  }
0x19b: {  	v7 =	vadd.s32 v7, v16;
	v16 =	vadd.s32 v24, v17;
	v15 =	vadd.s32 v22, v15;
	v14 =	vld [tilespmem:s23+$0x1C00]  }
0x19c: {  	v21 =	vand.u32 $0xFFFF, v5;
	v5 =	vshra.s32 v5, $0x10;
	v6 =	vadd.s32 v6, v18;
	v17 =	vld [tilespmem:s23+$0x1800]  }
0x19d: {  	v24 =	vand.u32 $0xFFFF, v2;
	v22 =	vand.u32 $0xFFFF, v3;
	v3 =	vshra.s32 v3, $0x10;
	v18 =	vld [tilespmem:s23+$0x1400]  }
0x19e: {  	v2 =	vshra.s32 v2, $0x10;
	v13 =	vadd.s32 v21, v13;
	v4 =	vadd.s32 v5, v4;
	v26 =	vld [tilespmem:s23+$0x1000]  }
0x19f: {  	v3 =	vadd.s32 v3, v7;
	v7 =	vadd.s32 v24, v16;
	v5 =	vld [tilespmem:s23+$0xC00];
	[tilespmem:s18+$0xFFFFFFF0] =	vst v13;
	v13 =	vadd.s32 v22, v15  }
0x1a0: {  	s21 =	sadd.s32 $0x4, s21;
	v2 =	vadd.s32 v2, v6;
	v15 =	vand.u32 $0xFFFF, v23;
	v16 =	vld [tilespmem:s23+$0x400];
	[tilespmem:s19+$0xFFFFFFF0] =	vst v4  }
0x1a1: {  	p0 =	slt.u32 s21, $0x3C;
	v21 =	vand.u32 $0xFFFF, v12;
	v22 =	vand.u32 $0xFFFF, v11;
	v4 =	vshra.s32 v23, $0x10;
	v6 =	vld [tilespmem:s23+$0x800];
	[tilespmem:s18+$0x0] =	vst v13  }
0x1a2: {  	v24 =	vand.u32 $0xFFFF, v8;
	v23 =	vand.u32 $0xFFFF, v9;
	v13 =	vand.u32 $0xFFFF, v10;
	v27 =	vld [tilespmem:s20+$0xFFFFE000];
	[tilespmem:s19+$0x0] =	vst v3  }
0x1a3: {  	v29 =	vand.u32 $0xFFFF, v19;
	v28 =	vand.u32 $0xFFFF, v20;
	v3 =	vand.u32 $0xFFFF, v25;
	v30 =	vld [tilespmem:s20+$0xFFFFE400];
	[tilespmem:s18+$0x10] =	vst v7  }
0x1a4: {  	v32 =	vand.u32 $0xFFFF, v14;
	v31 =	vand.u32 $0xFFFF, v17;
	v7 =	vand.u32 $0xFFFF, v18;
	v33 =	vld [tilespmem:s20+$0xFFFFE010];
	[tilespmem:s19+$0x10] =	vst v2  }
0x1a5: {  	v35 =	vand.u32 $0xFFFF, v26;
	v34 =	vand.u32 $0xFFFF, v5;
	v2 =	vand.u32 $0xFFFF, v16;
	v36 =	vld [tilespmem:s20+$0xFFFFE410]  }
0x1a6: {  	v2 =	vadd.s32 v15, v2;
	v15 =	vshra.s32 v16, $0x10;
	v16 =	vand.u32 $0xFFFF, v6;
	v37 =	vld [tilespmem:s20+$0xFFFFE020]  }
0x1a7: {  	v6 =	vshra.s32 v6, $0x10;
	v4 =	vadd.s32 v4, v15;
	v2 =	vadd.s32 v16, v2;
	v15 =	vld [tilespmem:s20+$0xFFFFE420]  }
0x1a8: {  	v5 =	vshra.s32 v5, $0x10;
	v4 =	vadd.s32 v6, v4;
	v2 =	vadd.s32 v34, v2;
	v6 =	vld [tilespmem:s20+$0xFFFFE800]  }
0x1a9: {  	v4 =	vadd.s32 v5, v4;
	v2 =	vadd.s32 v35, v2;
	v5 =	vshra.s32 v26, $0x10;
	v16 =	vld [tilespmem:s20+$0xFFFFE810]  }
0x1aa: {  	v4 =	vadd.s32 v5, v4;
	v2 =	vadd.s32 v7, v2;
	v5 =	vshra.s32 v18, $0x10;
	v7 =	vld [tilespmem:s20+$0xFFFFE820]  }
0x1ab: {  	v4 =	vadd.s32 v5, v4;
	v2 =	vadd.s32 v31, v2;
	v5 =	vshra.s32 v17, $0x10;
	v17 =	vld [tilespmem:s20+$0xFFFFEC00]  }
0x1ac: {  	v4 =	vadd.s32 v5, v4;
	v2 =	vadd.s32 v32, v2;
	v5 =	vshra.s32 v14, $0x10;
	v14 =	vld [tilespmem:s20+$0xFFFFEC10]  }
0x1ad: {  	v4 =	vadd.s32 v5, v4;
	v2 =	vadd.s32 v3, v2;
	v3 =	vshra.s32 v25, $0x10;
	v5 =	vld [tilespmem:s20+$0xFFFFEC20]  }
0x1ae: {  	v3 =	vadd.s32 v3, v4;
	v2 =	vadd.s32 v28, v2;
	v4 =	vshra.s32 v20, $0x10;
	v18 =	vld [tilespmem:s20+$0xFFFFF000]  }
0x1af: {  	v3 =	vadd.s32 v4, v3;
	v2 =	vadd.s32 v29, v2;
	v4 =	vshra.s32 v19, $0x10;
	v19 =	vld [tilespmem:s20+$0xFFFFF010]  }
0x1b0: {  	v3 =	vadd.s32 v4, v3;
	v2 =	vadd.s32 v13, v2;
	v4 =	vshra.s32 v10, $0x10;
	v10 =	vld [tilespmem:s20+$0xFFFFF020]  }
0x1b1: {  	v3 =	vadd.s32 v4, v3;
	v2 =	vadd.s32 v23, v2;
	v4 =	vshra.s32 v9, $0x10;
	v9 =	vld [tilespmem:s20+$0xFFFFF400]  }
0x1b2: {  	v3 =	vadd.s32 v4, v3;
	v2 =	vadd.s32 v24, v2;
	v4 =	vshra.s32 v8, $0x10;
	v8 =	vld [tilespmem:s20+$0xFFFFF410]  }
0x1b3: {  	v3 =	vadd.s32 v4, v3;
	v2 =	vadd.s32 v21, v2;
	v4 =	vshra.s32 v12, $0x10;
	v13 =	vld [tilespmem:s20+$0xFFFFF420]  }
0x1b4: {  	s18 =	sadd.s32 $0x40, s18;
	v3 =	vadd.s32 v4, v3;
	v2 =	vadd.s32 v22, v2;
	v4 =	vshra.s32 v11, $0x10;
	v20 =	vld [tilespmem:s20+$0xFFFFF800]  }
0x1b5: {  	s19 =	sadd.s32 $0x40, s19;
	v3 =	vadd.s32 v4, v3;
	[tilespmem:s18+$0xFFFFFFE0] =	vst v2;
	v2 =	vand.u32 $0xFFFF, v27;
	v4 =	vshra.s32 v27, $0x10;
	v21 =	vld [tilespmem:s20+$0xFFFFF810]  }
0x1b6: {  	v12 =	vand.u32 $0xFFFF, v33;
	v11 =	vshra.s32 v30, $0x10;
	[tilespmem:s19+$0xFFFFFFE0] =	vst v3;
	v3 =	vand.u32 $0xFFFF, v30;
	v22 =	vld [tilespmem:s20+$0xFFFFF820]  }
0x1b7: {  	v26 =	vshra.s32 v36, $0x10;
	v25 =	vand.u32 $0xFFFF, v36;
	v24 =	vshra.s32 v33, $0x10;
	v23 =	vld [tilespmem:s20+$0xFFFFFC00]  }
0x1b8: {  	v28 =	vand.u32 $0xFFFF, v37;
	v29 =	vshra.s32 v37, $0x10;
	v30 =	vand.u32 $0xFFFF, v15;
	v27 =	vld [tilespmem:s20+$0xFFFFFC10]  }
0x1b9: {  	v2 =	vadd.s32 v2, v3;
	v3 =	vadd.s32 v4, v11;
	v4 =	vshra.s32 v15, $0x10;
	v15 =	vld [tilespmem:s20+$0xFFFFFC20]  }
0x1ba: {  	v11 =	vadd.s32 v12, v25;
	v12 =	vadd.s32 v24, v26;
	v24 =	vadd.s32 v28, v30;
	v31 =	vld [tilespmem:s20+$0x0]  }
0x1bb: {  	v25 =	vand.u32 $0xFFFF, v6;
	v6 =	vshra.s32 v6, $0x10;
	v4 =	vadd.s32 v29, v4;
	v26 =	vld [tilespmem:s20+$0x10]  }
0x1bc: {  	v28 =	vand.u32 $0xFFFF, v16;
	v16 =	vshra.s32 v16, $0x10;
	v29 =	vand.u32 $0xFFFF, v7;
	v30 =	vld [tilespmem:s20+$0x20]  }
0x1bd: {  	v2 =	vadd.s32 v25, v2;
	v3 =	vadd.s32 v6, v3;
	v6 =	vshra.s32 v7, $0x10;
	v25 =	vld [tilespmem:s20+$0x400]  }
0x1be: {  	v7 =	vadd.s32 v28, v11;
	v11 =	vadd.s32 v16, v12;
	v12 =	vadd.s32 v29, v24;
	v16 =	vld [tilespmem:s20+$0x410]  }
0x1bf: {  	v24 =	vand.u32 $0xFFFF, v17;
	v17 =	vshra.s32 v17, $0x10;
	v4 =	vadd.s32 v6, v4;
	v28 =	vld [tilespmem:s20+$0x420]  }
0x1c0: {  	v32 =	vand.u32 $0xFFFF, v5;
	v6 =	vand.u32 $0xFFFF, v14;
	v14 =	vshra.s32 v14, $0x10;
	v29 =	vld [tilespmem:s20+$0x800]  }
0x1c1: {  	v5 =	vshra.s32 v5, $0x10;
	v2 =	vadd.s32 v24, v2;
	v3 =	vadd.s32 v17, v3;
	v17 =	vld [tilespmem:s20+$0x810]  }
0x1c2: {  	v6 =	vadd.s32 v6, v7;
	v7 =	vadd.s32 v14, v11;
	v11 =	vadd.s32 v32, v12;
	v14 =	vld [tilespmem:s20+$0x820]  }
0x1c3: {  	v12 =	vand.u32 $0xFFFF, v18;
	v18 =	vshra.s32 v18, $0x10;
	v4 =	vadd.s32 v5, v4;
	v24 =	vld [tilespmem:s20+$0xC00]  }
0x1c4: {  	v33 =	vand.u32 $0xFFFF, v10;
	v5 =	vand.u32 $0xFFFF, v19;
	v19 =	vshra.s32 v19, $0x10;
	v32 =	vld [tilespmem:s20+$0xC10]  }
0x1c5: {  	v10 =	vshra.s32 v10, $0x10;
	v2 =	vadd.s32 v12, v2;
	v3 =	vadd.s32 v18, v3;
	v18 =	vld [tilespmem:s20+$0xC20]  }
0x1c6: {  	v5 =	vadd.s32 v5, v6;
	v6 =	vadd.s32 v19, v7;
	v7 =	vadd.s32 v33, v11;
	v12 =	vld [tilespmem:s20+$0x1000]  }
0x1c7: {  	v19 =	vand.u32 $0xFFFF, v9;
	v9 =	vshra.s32 v9, $0x10;
	v4 =	vadd.s32 v10, v4;
	v33 =	vld [tilespmem:s20+$0x1010]  }
0x1c8: {  	v34 =	vshra.s32 v8, $0x10;
	v35 =	vand.u32 $0xFFFF, v13;
	v10 =	vand.u32 $0xFFFF, v8;
	v11 =	vld [tilespmem:s20+$0x1020]  }
0x1c9: {  	v13 =	vshra.s32 v13, $0x10;
	v2 =	vadd.s32 v19, v2;
	v3 =	vadd.s32 v9, v3;
	v8 =	vld [tilespmem:s20+$0x1400]  }
0x1ca: {  	v5 =	vadd.s32 v10, v5;
	v6 =	vadd.s32 v34, v6;
	v19 =	vadd.s32 v35, v7;
	v9 =	vld [tilespmem:s20+$0x1410]  }
0x1cb: {  	v7 =	vand.u32 $0xFFFF, v20;
	v20 =	vshra.s32 v20, $0x10;
	v13 =	vadd.s32 v13, v4;
	v10 =	vld [tilespmem:s20+$0x1420]  }
0x1cc: {  	v34 =	vand.u32 $0xFFFF, v21;
	v21 =	vshra.s32 v21, $0x10;
	v35 =	vand.u32 $0xFFFF, v22;
	v4 =	vld [tilespmem:s20+$0x1800]  }
0x1cd: {  	v2 =	vadd.s32 v7, v2;
	v20 =	vadd.s32 v20, v3;
	v3 =	vshra.s32 v22, $0x10;
	v7 =	vld [tilespmem:s20+$0x1810]  }
0x1ce: {  	v22 =	vadd.s32 v34, v5;
	v21 =	vadd.s32 v21, v6;
	v19 =	vadd.s32 v35, v19;
	v6 =	vld [tilespmem:s20+$0x1820]  }
0x1cf: {  	v34 =	vand.u32 $0xFFFF, v23;
	v23 =	vshra.s32 v23, $0x10;
	v13 =	vadd.s32 v3, v13;
	v5 =	vld [tilespmem:s20+$0x1C00]  }
0x1d0: {  	v35 =	vand.u32 $0xFFFF, v27;
	v27 =	vshra.s32 v27, $0x10;
	v36 =	vand.u32 $0xFFFF, v15;
	v3 =	vld [tilespmem:s20+$0x1C10]  }
0x1d1: {  	v34 =	vadd.s32 v34, v2;
	v20 =	vadd.s32 v23, v20;
	v15 =	vshra.s32 v15, $0x10;
	v2 =	vld [tilespmem:s20+$0x1C20]  }
0x1d2: {  	v22 =	vadd.s32 v35, v22;
	v21 =	vadd.s32 v27, v21;
	v19 =	vadd.s32 v36, v19  }
0x1d3: {  	v23 =	vand.u32 $0xFFFF, v31;
	v27 =	vshra.s32 v31, $0x10;
	v13 =	vadd.s32 v15, v13  }
0x1d4: {  	v15 =	vand.u32 $0xFFFF, v26;
	v26 =	vshra.s32 v26, $0x10;
	v31 =	vand.u32 $0xFFFF, v30  }
0x1d5: {  	v23 =	vadd.s32 v23, v34;
	v20 =	vadd.s32 v27, v20;
	v27 =	vshra.s32 v30, $0x10  }
0x1d6: {  	v15 =	vadd.s32 v15, v22;
	v21 =	vadd.s32 v26, v21;
	v19 =	vadd.s32 v31, v19  }
0x1d7: {  	v22 =	vand.u32 $0xFFFF, v25;
	v25 =	vshra.s32 v25, $0x10;
	v13 =	vadd.s32 v27, v13  }
0x1d8: {  	v26 =	vand.u32 $0xFFFF, v16;
	v16 =	vshra.s32 v16, $0x10;
	v27 =	vand.u32 $0xFFFF, v28  }
0x1d9: {  	v22 =	vadd.s32 v22, v23;
	v20 =	vadd.s32 v25, v20;
	v23 =	vshra.s32 v28, $0x10  }
0x1da: {  	v15 =	vadd.s32 v26, v15;
	v16 =	vadd.s32 v16, v21;
	v19 =	vadd.s32 v27, v19  }
0x1db: {  	v21 =	vand.u32 $0xFFFF, v29;
	v25 =	vshra.s32 v29, $0x10;
	v13 =	vadd.s32 v23, v13  }
0x1dc: {  	v23 =	vand.u32 $0xFFFF, v17;
	v17 =	vshra.s32 v17, $0x10;
	v26 =	vand.u32 $0xFFFF, v14  }
0x1dd: {  	v21 =	vadd.s32 v21, v22;
	v20 =	vadd.s32 v25, v20;
	v14 =	vshra.s32 v14, $0x10  }
0x1de: {  	v15 =	vadd.s32 v23, v15;
	v16 =	vadd.s32 v17, v16;
	v17 =	vadd.s32 v26, v19  }
0x1df: {  	v19 =	vand.u32 $0xFFFF, v24;
	v22 =	vshra.s32 v24, $0x10;
	v23 =	vadd.s32 v14, v13  }
.Ltmp5:
0x1e0: {  	v24 =	vand.u32 $0xFFFF, v32;
	v25 =	vshra.s32 v32, $0x10;
	v26 =	vand.u32 $0xFFFF, v18;
	(pc) =	sbr.rel @p0 .LBB2_12-.Ltmp5, $4  }
0x1e1: {  	v13 =	vadd.s32 v19, v21;
	v14 =	vadd.s32 v22, v20;
	v18 =	vshra.s32 v18, $0x10  }
0x1e2: {  	v15 =	vadd.s32 v24, v15;
	v16 =	vadd.s32 v25, v16;
	v17 =	vadd.s32 v26, v17  }
0x1e3: {  	v19 =	vand.u32 $0xFFFF, v12;
	v12 =	vshra.s32 v12, $0x10;
	v18 =	vadd.s32 v18, v23  }
0x1e4: {  	s22 =	sadd.s32 $0x40, s22;
	v20 =	vand.u32 $0xFFFF, v33;
	v21 =	vshra.s32 v33, $0x10;
	v22 =	vand.u32 $0xFFFF, v11;
	s20 =	sadd.s32 $0x40, s20  }
0x1e5: {  	v13 =	vadd.s32 v19, v13;
	v12 =	vadd.s32 v12, v14;
	v11 =	vshra.s32 v11, $0x10  }
0x1e6: {  	v39 =	vadd.s32 v20, v15;
	v40 =	vadd.s32 v21, v16;
	v41 =	vadd.s32 v22, v17  }
0x1e7: {  	v42 =	vand.u32 $0xFFFF, v8;
	v43 =	vshra.s32 v8, $0x10;
	v44 =	vand.u32 $0xFFFF, v9  }
0x1e8: {  	v45 =	vshra.s32 v9, $0x10;
	v46 =	vand.u32 $0xFFFF, v10;
	v47 =	vshra.s32 v10, $0x10  }
0x1e9: {  	v50 =	vand.u32 $0xFFFF, v4;
	v51 =	vshra.s32 v4, $0x10;
	v52 =	vand.u32 $0xFFFF, v7  }
0x1ea: {  	v53 =	vshra.s32 v7, $0x10;
	v54 =	vand.u32 $0xFFFF, v6;
	v55 =	vand.u32 $0xFFFF, v5  }
0x1eb: {  	v56 =	vshra.s32 v6, $0x10;
	v57 =	vshra.s32 v5, $0x10;
	v58 =	vand.u32 $0xFFFF, v3  }
0x1ec: {  	v11 =	vadd.s32 v11, v18;
	v13 =	vadd.s32 v42, v13;
	v8 =	vadd.s32 v43, v12  }
0x1ed: {  	v48 =	vadd.s32 v44, v39;
	v10 =	vadd.s32 v47, v11;
	v13 =	vadd.s32 v50, v13  }
0x1ee: {  	v4 =	vadd.s32 v51, v8;
	v11 =	vadd.s32 v52, v48;
	v8 =	vadd.s32 v55, v13  }
0x1ef: {  	v3 =	vshra.s32 v3, $0x10;
	v9 =	vadd.s32 v45, v40;
	v60 =	vadd.s32 v58, v11;
	[tilespmem:s18+$0xFFFFFFF0] =	vst v8  }
0x1f0: {  	v49 =	vadd.s32 v46, v41;
	v59 =	vadd.s32 v53, v9;
	v4 =	vadd.s32 v57, v4;
	[tilespmem:s18+$0x0] =	vst v60  }
0x1f1: {  	v62 =	vand.u32 $0xFFFF, v2;
	v61 =	vadd.s32 v54, v49;
	v3 =	vadd.s32 v3, v59;
	[tilespmem:s19+$0xFFFFFFF0] =	vst v4  }
0x1f2: {  	v2 =	vshra.s32 v2, $0x10;
	v63 =	vadd.s32 v56, v10;
	v4 =	vadd.s32 v62, v61;
	[tilespmem:s19+$0x0] =	vst v3  }
0x1f3: {  	v2 =	vadd.s32 v2, v63;
	[tilespmem:s18+$0x10] =	vst v4  }
0x1f4: {  	[tilespmem:s19+$0x10] =	vst v2  }
0x1f5: {  	[hbm4b:s7+s2] =	stream.linear.scatter [tilespmem:s14], [sflag:$0x3], $0x400, $0x38;
	[tilespmem:$0xC800] =	vst v63  }
0x1f6: {  	s17 =	sadd.s32 $0x1, s17;
	_ =	swait.ge [sflag:s15], $0x400  }
0x1f7: {  	p0 =	sne.s32 s17, s9;
	[sflag:s15] =	ssyncset.done $0x0  }
.Ltmp6:
0x1f8: {  	[sflag:s15] =	ssyncadd.s32 $0xFFFFFC00;
	(pc) =	sbr.rel @p0 .LBB2_1-.Ltmp6, $4  }
0x1f9: {  	[hbm4b:s8+s2] =	stream.linear.scatter [tilespmem:s16], [sflag:$0x3], $0x400, $0x38;
	[tilespmem:$0xC800] =	vst v63  }
0x1fa: {  	_ =	swait.ge [sflag:s15], $0x400  }
0x1fb: {  	[sflag:s15] =	ssyncset.done $0x0  }
0x1fc: {  	[sflag:s15] =	ssyncadd.s32 $0xFFFFFC00  }
0x1fd: {  	_ =	sfence.sel $0x180000  }
0x1fe: {  	[bflag:$0x0] =	sbarrier.arrive $0xFFFF  }
0x1ff: {  	p0 =	sne.s32 s1, $0x0;
	_ =	strace $0x90000047  }
0x200: {  	s0 =	sadd.s32 @!p0 $0x100000, s0;
	[bflag:$0x2] =	sbarrier.arrive $0xFFFF  }
0x201: {  	[sflag:s0] =	ssyncadd.tile.s32 @!p0 $0x1;
	_ =	shalt  }
.Lfunc_end2:
_tile_overlayer_lowered:
.L_overlay_start_2:
0x202: {  	(tag) =	ssettag $0x2  }
0x203: {  	s0 =	rddreg [dreg:$0x0];
	s2 =	stileid.u32  }
0x204: {  	s1 =	rddreg [dreg:$0x1];
	p0 =	sne.s32 s2, $0x0  }
0x205: {  	s3 =	rddreg [dreg:$0x2];
	[bflag:$0x3] =	sbarrier.arrive $0xFFFF;
	s2 =	simm.s32 @!p0 $0x1C03  }
0x206: {  	[timem:s3], [sflag:s2] =	dma.local @!p0 [hbm:s0], s1  }
0x207: {  	s0 =	simm.s32 @!p0 $0x3  }
0x208: {  	_ =	swait.ge @!p0 [sflag:s0], s1  }
0x209: {  	s1 =	ssub.s32 @!p0 $0x0, s1;
	[sflag:s0] =	ssyncset.done @!p0 $0x0  }
0x20a: {  	[sflag:s0] =	ssyncadd.s32 @!p0 s1  }
0x20b: {  	[bflag:$0x3] =	sbarrier.arrive $0xFFFF  }
0x20c: {  	_ =	shalt  }

</sc_bundles>
